<compile_context>
chip_gen: v7x
topology: tpu7x:2x2x1
jax: 0.10.2.dev20260603
libtpu: 0.0.44.dev20260713+nightly
codegen_flags: <defaults>
</compile_context>

<pallas_src>
import functools
import math

import jax
import jax.numpy as jnp
import numpy as np
from jax import lax
from jax.experimental import pallas as pl
from jax.experimental.pallas import tpu as pltpu
from jax.experimental.pallas import tpu_sc as plsc

GRID = 128
FEAT = 64
HID = 64
NRAYS = 8192
DELTA_MIN = math.sqrt(3.0) / 1024.0


def _steps():
    t = 0.0
    ts = [t]
    ds = []
    while t < 100000.0:
        s = min(1e10, max(DELTA_MIN, t))
        t += s
        ts.append(t)
        ds.append(s)
    return np.asarray(ts[:-1], np.float32), np.asarray(ds, np.float32)


_T, _D = _steps()
NS = _T.shape[0]
NSP = 32
NROWS = NRAYS * NSP
RB = 256
CB = RB * NSP
NBLK = NRAYS // RB
NWORDS = GRID * GRID * (GRID // 32)
PACK_ROWS = 16384
NW = 32
PER_W = NROWS // NW
VECS = PER_W // 16

_T_PAD = np.concatenate([_T, np.zeros(NSP - NS, np.float32)])
_D_PAD = np.concatenate([_D, np.zeros(NSP - NS, np.float32)])
_T_ROW = np.tile(_T_PAD, RB)[None, :]
_D_ROW = np.tile(_D_PAD, RB)[None, :]
_S_ROW = np.tile(np.arange(NSP, dtype=np.int32), RB)[None, :]
_SEL = np.zeros((CB, RB), np.float32)
_SEL[np.arange(CB), np.arange(CB) // NSP] = 1.0



def _pack_body(g_ref, out_ref):
    b = (g_ref[...] != 0.0).astype(jnp.int32)
    lane = lax.broadcasted_iota(jnp.int32, b.shape, 1)
    s = b << (lane & 31)
    lm = lane & 31
    for k in (1, 2, 4, 8, 16):
        s = s + jnp.where(lm <= 31 - k, pltpu.roll(s, 128 - k, 1), 0)
    cols = [s[:, j * 32:j * 32 + 1] for j in range(4)]
    out_ref[...] = jnp.concatenate(cols, axis=1)


def _contracted(o3, d3, t):
    pos = o3 + d3 * t
    nrm = jnp.max(jnp.abs(pos), axis=0, keepdims=True)
    safe = jnp.maximum(nrm, 1e-12)
    return jnp.where(nrm <= 1.0, pos, (2.0 - 1.0 / safe) * pos / safe) / 2.0


def _codes_body(o_ref, d_ref, t_ref, sidx_ref, out_ref):
    flat = _contracted(o_ref[...], d_ref[...], t_ref[...])
    iv3 = ((flat + 1.0) * GRID - 1.0) / 2.0
    vf3 = jnp.floor(iv3)
    vi3 = vf3.astype(jnp.int32) + 1
    fr3 = (iv3 > vf3).astype(jnp.int32)
    code = jnp.zeros((1, CB), jnp.int32)
    for axis in range(3):
        code = code + (vi3[axis:axis + 1, :] * jnp.int32(1 << (8 * axis))
                       + fr3[axis:axis + 1, :] * jnp.int32(1 << (24 + axis)))
    code = jnp.where(sidx_ref[...] < NS, code, jnp.int32(0x00FFFFFF))
    out_ref[...] = code


def _main_body(o_ref, d_ref, mask_ref, t_ref, dist_ref, sidx_ref, sel_ref,
               W1_ref, b1_ref, W2_ref, b2_ref, Ws_ref, bs_ref,
               Wr1a_ref, Wr1b_ref, br1_ref, Wr2_ref, br2_ref, out_ref):
    d3 = d_ref[...]
    flat = _contracted(o_ref[...], d3, t_ref[...])
    msk = mask_ref[...]
    h = jnp.maximum(jnp.dot(W1_ref[...], flat) + b1_ref[...], 0.0)
    feat = (jnp.dot(W2_ref[...], h) + b2_ref[...]) * msk
    sig = jnp.dot(Ws_ref[...], feat) + bs_ref[...]
    sigma = jax.nn.softplus(sig) * msk
    alpha = -sigma * dist_ref[...]
    sidx = sidx_ref[...]
    c = alpha
    for k in (1, 2, 4, 8, 16):
        c = c + jnp.where(sidx >= k, pltpu.roll(c, k, 1), 0.0)
    trans = jnp.exp(c - alpha)
    a = 1.0 - jnp.exp(alpha)
    w = trans * a
    wm2 = jnp.where((msk > 0.0) & (w > 1e-4), w, 0.0)
    hr = jnp.maximum(jnp.dot(Wr1a_ref[...], feat)
                     + jnp.dot(Wr1b_ref[...], d3) + br1_ref[...], 0.0)
    rgb = jax.nn.sigmoid(jnp.dot(Wr2_ref[...], hr) + br2_ref[...])
    contrib = rgb * wm2
    out_ref[...] = jnp.dot(contrib, sel_ref[...])



def _sc_mask_body(words_hbm, codes_hbm, out_hbm, bits_v, codes_v, mask_v):
    nc = 2
    wid = lax.axis_index("s") * nc + lax.axis_index("c")
    base = wid * PER_W
    pltpu.sync_copy(words_hbm, bits_v)
    pltpu.sync_copy(codes_hbm.at[pl.ds(base, PER_W)], codes_v)

    def body(i, carry):
        code = codes_v[pl.ds(i * 16, 16)]
        x0 = (code & 255) - 1
        y0 = ((code >> 8) & 255) - 1
        z0 = ((code >> 16) & 255) - 1
        fx = ((code >> 24) & 1) == 1
        fy = ((code >> 25) & 1) == 1
        fz = ((code >> 26) & 1) == 1
        lim = GRID - 1
        okx = ((x0 >= 0) & (x0 <= lim), fx & (x0 + 1 <= lim) & (x0 + 1 >= 0))
        oky = ((y0 >= 0) & (y0 <= lim), fy & (y0 + 1 <= lim) & (y0 + 1 >= 0))
        okz = ((z0 >= 0) & (z0 <= lim), fz & (z0 + 1 <= lim) & (z0 + 1 >= 0))
        m = None
        for dz in (0, 1):
            for dy in (0, 1):
                yz = (z0 + dz) * GRID + (y0 + dy)
                for dx in (0, 1):
                    x = x0 + dx
                    wi = (yz * 4 + (x >> 5)) & (NWORDS - 1)
                    wv = plsc.load_gather(bits_v, [wi])
                    hit = (((wv >> (x & 31)) & 1) == 1)
                    hit = hit & okz[dz] & oky[dy] & okx[dx]
                    m = hit if m is None else (m | hit)
        mask_v[pl.ds(i * 16, 16)] = jnp.where(m, 1.0, 0.0)
        return carry

    lax.fori_loop(0, VECS, body, 0)
    pltpu.sync_copy(mask_v, out_hbm.at[pl.ds(base, PER_W)])


@functools.cache
def _sc_mask_call():
    mesh = plsc.VectorSubcoreMesh(core_axis_name="c", subcore_axis_name="s")
    return pl.kernel(
        _sc_mask_body,
        out_type=jax.ShapeDtypeStruct((NROWS,), jnp.float32),
        mesh=mesh,
        compiler_params=pltpu.CompilerParams(needs_layout_passes=False),
        scratch_types=[
            pltpu.VMEM((NWORDS,), jnp.int32),
            pltpu.VMEM((PER_W,), jnp.int32),
            pltpu.VMEM((PER_W,), jnp.float32),
        ],
    )



@functools.cache
def _pack_call():
    return pl.pallas_call(
        _pack_body,
        grid=(1,),
        in_specs=[pl.BlockSpec((PACK_ROWS, 128), lambda i: (0, 0))],
        out_specs=pl.BlockSpec((PACK_ROWS, 4), lambda i: (0, 0)),
        out_shape=jax.ShapeDtypeStruct((PACK_ROWS, 4), jnp.int32),
    )


@functools.cache
def _codes_call():
    full = lambda i: (0, 0)
    return pl.pallas_call(
        _codes_body,
        grid=(NBLK,),
        in_specs=[
            pl.BlockSpec((3, CB), lambda i: (0, i)),
            pl.BlockSpec((3, CB), lambda i: (0, i)),
            pl.BlockSpec((1, CB), full),
            pl.BlockSpec((1, CB), full),
        ],
        out_specs=pl.BlockSpec((1, CB), lambda i: (0, i)),
        out_shape=jax.ShapeDtypeStruct((1, NROWS), jnp.int32),
    )


@functools.cache
def _main_call():
    full = lambda i: (0, 0)
    return pl.pallas_call(
        _main_body,
        grid=(NBLK,),
        in_specs=[
            pl.BlockSpec((3, CB), lambda i: (0, i)),
            pl.BlockSpec((3, CB), lambda i: (0, i)),
            pl.BlockSpec((1, CB), lambda i: (0, i)),
            pl.BlockSpec((1, CB), full),
            pl.BlockSpec((1, CB), full),
            pl.BlockSpec((1, CB), full),
            pl.BlockSpec((CB, RB), full),
            pl.BlockSpec((HID, 3), full),
            pl.BlockSpec((HID, 1), full),
            pl.BlockSpec((FEAT, HID), full),
            pl.BlockSpec((FEAT, 1), full),
            pl.BlockSpec((1, FEAT), full),
            pl.BlockSpec((1, 1), full),
            pl.BlockSpec((HID, FEAT), full),
            pl.BlockSpec((HID, 3), full),
            pl.BlockSpec((HID, 1), full),
            pl.BlockSpec((3, HID), full),
            pl.BlockSpec((3, 1), full),
        ],
        out_specs=pl.BlockSpec((3, RB), lambda i: (0, i)),
        out_shape=jax.ShapeDtypeStruct((3, NRAYS), jnp.float32),
    )


def kernel(rays_o, rays_d, grid, W1, b1, W2, b2, Ws, bs, Wr1, br1, Wr2, br2):
    trow = jnp.asarray(_T_ROW)
    drow = jnp.asarray(_D_ROW)
    srow = jnp.asarray(_S_ROW)
    sel = jnp.asarray(_SEL)
    oT = jnp.broadcast_to(rays_o.T[:, :, None],
                          (3, NRAYS, NSP)).reshape(3, NROWS)
    dT = jnp.broadcast_to(rays_d.T[:, :, None],
                          (3, NRAYS, NSP)).reshape(3, NROWS)
    words = _pack_call()(grid.reshape(PACK_ROWS, 128)).reshape(NWORDS)
    codes = _codes_call()(oT, dT, trow, srow).reshape(NROWS)
    maskf = _sc_mask_call()(words, codes)
    outT = _main_call()(
        oT, dT, maskf.reshape(1, NROWS), trow, drow, srow, sel,
        W1.T, b1.reshape(HID, 1), W2.T, b2.reshape(FEAT, 1),
        Ws.T, bs.reshape(1, 1),
        Wr1[:FEAT].T, Wr1[FEAT:].T, br1.reshape(HID, 1),
        Wr2.T, br2.reshape(3, 1))
    return outT.T

# --- scband reference (transcript-rebuilt; emitter-appended) ---
"""Pipeline reference for scband-nerf-renderer-51049981280729 (READ-ONLY COPY).

The authoritative reference and input builder live on the scoring server;
editing this copy changes nothing except your own understanding.
"""

import jax, jax.numpy as jnp
import numpy as np
import math

GRID_SIZE = 128
FEATURE_DIM = 64
HIDDEN = 64
NEAR = 0.0
FAR = 100000.0
DELTA_MIN = math.sqrt(3.0) / 1024.0
DELTA_MAX = 1e10
EARLY_TERMINATION = 1e-4
N_RAYS = 8192


def _stepping():
    t = NEAR
    ts = [t]
    steps = []
    while t < FAR:
        step = min(DELTA_MAX, max(DELTA_MIN, t))
        t += step
        ts.append(t)
        steps.append(step)
    return np.asarray(ts[:-1], np.float32), np.asarray(steps, np.float32)

T_VALUES, DISTANCES = _stepping()
N_SAMPLES = T_VALUES.shape[0]


def mip360_contract(c):
    norm = jnp.max(jnp.abs(c), axis=-1, keepdims=True)
    safe = jnp.maximum(norm, 1e-12)
    return jnp.where(norm <= 1.0, c, (2.0 - 1.0 / safe) * c / safe) / 2.0


def grid_sample_3d(grid, coords):
    # grid: [D, H, W]; coords: [N, 3] with (x, y, z) in [-1, 1], align_corners=False, zero padding
    D, H, W = grid.shape
    ix = ((coords[:, 0] + 1.0) * W - 1.0) / 2.0
    iy = ((coords[:, 1] + 1.0) * H - 1.0) / 2.0
    iz = ((coords[:, 2] + 1.0) * D - 1.0) / 2.0
    x0 = jnp.floor(ix)
    y0 = jnp.floor(iy)
    z0 = jnp.floor(iz)
    wx = ix - x0
    wy = iy - y0
    wz = iz - z0

    def corner(zf, yf, xf):
        valid = (zf >= 0) & (zf < D) & (yf >= 0) & (yf < H) & (xf >= 0) & (xf < W)
        zi = jnp.clip(zf, 0, D - 1).astype(jnp.int32)
        yi = jnp.clip(yf, 0, H - 1).astype(jnp.int32)
        xi = jnp.clip(xf, 0, W - 1).astype(jnp.int32)
        return grid[zi, yi, xi] * valid.astype(grid.dtype)

    c000 = corner(z0, y0, x0)
    c001 = corner(z0, y0, x0 + 1)
    c010 = corner(z0, y0 + 1, x0)
    c011 = corner(z0, y0 + 1, x0 + 1)
    c100 = corner(z0 + 1, y0, x0)
    c101 = corner(z0 + 1, y0, x0 + 1)
    c110 = corner(z0 + 1, y0 + 1, x0)
    c111 = corner(z0 + 1, y0 + 1, x0 + 1)
    return (c000 * (1 - wz) * (1 - wy) * (1 - wx) + c001 * (1 - wz) * (1 - wy) * wx
            + c010 * (1 - wz) * wy * (1 - wx) + c011 * (1 - wz) * wy * wx
            + c100 * wz * (1 - wy) * (1 - wx) + c101 * wz * (1 - wy) * wx
            + c110 * wz * wy * (1 - wx) + c111 * wz * wy * wx)


def _forward(rays_o, rays_d, grid, W1, b1, W2, b2, Ws, bs, Wr1, br1, Wr2, br2):
    n_rays = rays_o.shape[0]
    t_values = jnp.asarray(T_VALUES)
    distances = jnp.asarray(DISTANCES)
    samples = rays_o[:, None, :] + rays_d[:, None, :] * t_values[None, :, None]
    samples = mip360_contract(samples)
    flat = samples.reshape(-1, 3)
    occ = grid_sample_3d(jax.lax.stop_gradient(grid), jax.lax.stop_gradient(flat))
    mask = (occ != 0.0).reshape(n_rays, N_SAMPLES)
    mflat = mask.reshape(-1, 1).astype(jnp.float32)
    # feature module (only masked samples contribute; dense compute * mask is equivalent)
    h = jax.nn.relu(flat @ W1 + b1)
    feat = (h @ W2 + b2) * mflat
    # sigma decoder
    sigma = jax.nn.softplus(feat @ Ws + bs).reshape(n_rays, N_SAMPLES) * mask
    alpha = -sigma * distances[None, :]
    trans = jnp.exp(jnp.cumsum(alpha, axis=1))[:, :-1]
    trans = jnp.concatenate([jnp.ones((n_rays, 1), jnp.float32), trans], axis=1)
    a = 1.0 - jnp.exp(alpha)
    weights = trans * a
    mask2 = mask & (weights > EARLY_TERMINATION)
    # rgb decoder
    feat3 = feat.reshape(n_rays, N_SAMPLES, FEATURE_DIM)
    dirs = jnp.broadcast_to(rays_d[:, None, :], (n_rays, N_SAMPLES, 3))
    x = jnp.concatenate([feat3, dirs], axis=-1)
    hr = jax.nn.relu(x @ Wr1 + br1)
    rgb = jax.nn.sigmoid(hr @ Wr2 + br2)
    rgb = rgb * weights[..., None] * mask2[..., None].astype(jnp.float32)
    return rgb.sum(axis=1)


def setup_inputs(seed: int = 0) -> dict:
    key = jax.random.key(seed)
    ks = jax.random.split(key, 10)
    rays_o = jax.random.normal(ks[0], (N_RAYS, 3), jnp.float32)
    d = jax.random.normal(ks[1], (N_RAYS, 3), jnp.float32)
    rays_d = d / jnp.linalg.norm(d, axis=-1, keepdims=True)
    grid = (jax.random.uniform(ks[2], (GRID_SIZE, GRID_SIZE, GRID_SIZE)) > 0.95).astype(jnp.float32)
    W1 = jax.random.normal(ks[3], (3, HIDDEN), jnp.float32) * 0.5
    b1 = jnp.zeros((HIDDEN,), jnp.float32)
    W2 = jax.random.normal(ks[4], (HIDDEN, FEATURE_DIM), jnp.float32) * (1.0 / math.sqrt(HIDDEN))
    b2 = jnp.zeros((FEATURE_DIM,), jnp.float32)
    Ws = jax.random.normal(ks[5], (FEATURE_DIM, 1), jnp.float32) * 0.1
    bs = jnp.zeros((1,), jnp.float32)
    Wr1 = jax.random.normal(ks[6], (FEATURE_DIM + 3, HIDDEN), jnp.float32) * (1.0 / math.sqrt(FEATURE_DIM + 3))
    br1 = jnp.zeros((HIDDEN,), jnp.float32)
    Wr2 = jax.random.normal(ks[7], (HIDDEN, 3), jnp.float32) * (1.0 / math.sqrt(HIDDEN))
    br2 = jnp.zeros((3,), jnp.float32)
    return {"rays_o": rays_o, "rays_d": rays_d, "grid": grid,
            "W1": W1, "b1": b1, "W2": W2, "b2": b2, "Ws": Ws, "bs": bs,
            "Wr1": Wr1, "br1": br1, "Wr2": Wr2, "br2": br2}


def reference(rays_o, rays_d, grid, W1, b1, W2, b2, Ws, bs, Wr1, br1, Wr2, br2):
    return _forward(rays_o, rays_d, grid, W1, b1, W2, b2, Ws, bs, Wr1, br1, Wr2, br2)

if __name__ == "__main__":
    import jax
    _d = setup_inputs()
    print(jax.jit(kernel)(*tuple(_d.values())))

</pallas_src>

<mosaic_0001>
#map = affine_map<(d0, d1) -> (0)>
module attributes {stable_mosaic.version = 14 : i64} {
  func.func @_sc_mask_body(%arg0: i32, %arg1: i32, %arg2: memref<65536xi32, #tpu.memory_space<hbm>>, %arg3: memref<262144xi32, #tpu.memory_space<hbm>>, %arg4: memref<262144xf32, #tpu.memory_space<hbm>>, %arg5: memref<65536xi32, #tpu.memory_space<vmem>>, %arg6: memref<8192xi32, #tpu.memory_space<vmem>>, %arg7: memref<8192xf32, #tpu.memory_space<vmem>>) attributes {dimension_semantics = [#tpu.dimension_semantics<core_parallel>, #tpu.dimension_semantics<subcore_parallel>], iteration_bounds = array<i64: 2, 16>, scalar_prefetch = 0 : i64, scratch_operands = 3 : i64, tpu.core_type = #tpu.core_type<sc_vector_subcore>, window_params = [{transform_indices = #map}, {transform_indices = #map}, {transform_indices = #map}]} {
    %mul3A = arith.constant 2 : i32
    %mul3A_0 = arith.muli %arg1, %mul3A : i32
    %add3A = arith.addi %mul3A_0, %arg0 : i32
    %mul3A_1 = arith.constant 8192 : i32
    %mul3A_2 = arith.muli %add3A, %mul3A_1 : i32
    "tpu.region"() ({
      %run_scoped3A = tpu.sem_alloc : memref<!tpu.dma_semaphore, #tpu.memory_space<semaphore_mem>>
      tpu.enqueue_dma source(%arg2 : memref<65536xi32, #tpu.memory_space<hbm>>) target(%arg5 : memref<65536xi32, #tpu.memory_space<vmem>>) target_semaphore(%run_scoped3A : memref<!tpu.dma_semaphore, #tpu.memory_space<semaphore_mem>>)
      tpu.wait_dma2 semaphore(%run_scoped3A : memref<!tpu.dma_semaphore, #tpu.memory_space<semaphore_mem>>) src(%arg2 : memref<65536xi32, #tpu.memory_space<hbm>>) dst(%arg5 : memref<65536xi32, #tpu.memory_space<vmem>>)
      tpu.yield
    }) : () -> ()
    "tpu.region"() ({
      %run_scoped3A = tpu.sem_alloc : memref<!tpu.dma_semaphore, #tpu.memory_space<semaphore_mem>>
      %dma_start3A = tpu.memref_slice %arg3[%mul3A_2] : memref<262144xi32, #tpu.memory_space<hbm>> -> memref<8192xi32, #tpu.memory_space<hbm>>
      %dma_start3A_8 = tpu.memref_slice %arg3[%mul3A_2] : memref<262144xi32, #tpu.memory_space<hbm>> -> memref<8192xi32, #tpu.memory_space<hbm>>
      tpu.enqueue_dma source(%dma_start3A_8 : memref<8192xi32, #tpu.memory_space<hbm>>) target(%arg6 : memref<8192xi32, #tpu.memory_space<vmem>>) target_semaphore(%run_scoped3A : memref<!tpu.dma_semaphore, #tpu.memory_space<semaphore_mem>>)
      %dma_wait3A = tpu.memref_slice %arg3[%mul3A_2] : memref<262144xi32, #tpu.memory_space<hbm>> -> memref<8192xi32, #tpu.memory_space<hbm>>
      %dma_wait3A_9 = tpu.memref_slice %arg3[%mul3A_2] : memref<262144xi32, #tpu.memory_space<hbm>> -> memref<8192xi32, #tpu.memory_space<hbm>>
      tpu.wait_dma2 semaphore(%run_scoped3A : memref<!tpu.dma_semaphore, #tpu.memory_space<semaphore_mem>>) src(%dma_wait3A_9 : memref<8192xi32, #tpu.memory_space<hbm>>) dst(%arg6 : memref<8192xi32, #tpu.memory_space<vmem>>)
      tpu.yield
    }) : () -> ()
    %scan3A = arith.constant 0 : i32
    %scan3A_3 = arith.constant 0 : i32
    %scan3A_4 = arith.constant 512 : i32
    %scan3A_5 = arith.addi %scan3A_3, %scan3A_4 : i32
    %scan3A_6 = arith.constant 1 : i32
    scf.for %scan3A_8 = %scan3A_3 to %scan3A_5 step %scan3A_6  : i32 {
      %mul3A_9 = arith.constant 16 : i32
      %mul3A_10 = arith.muli %scan3A_8, %mul3A_9 : i32
      %get3A = arith.index_cast %mul3A_10 : i32 to index
      %get3A_11 = tpu.vector_load %arg6[%get3A] {strides = array<i32>} : memref<8192xi32, #tpu.memory_space<vmem>>, vector<16xi32>,
      %and3A = arith.constant 255 : i32
      %and3A_12 = vector.broadcast %and3A : i32 to vector<16xi32>
      %and3A_13 = arith.andi %get3A_11, %and3A_12 : vector<16xi32>
      %sub3A = arith.constant 1 : i32
      %sub3A_14 = vector.broadcast %sub3A : i32 to vector<16xi32>
      %sub3A_15 = arith.subi %and3A_13, %sub3A_14 : vector<16xi32>
      %shift_right_arithmetic3A = arith.constant 8 : i32
      %shift_right_arithmetic3A_16 = vector.broadcast %shift_right_arithmetic3A : i32 to vector<16xi32>
      %shift_right_arithmetic3A_17 = arith.shrsi %get3A_11, %shift_right_arithmetic3A_16 : vector<16xi32>
      %and3A_18 = arith.constant 255 : i32
      %and3A_19 = vector.broadcast %and3A_18 : i32 to vector<16xi32>
      %and3A_20 = arith.andi %shift_right_arithmetic3A_17, %and3A_19 : vector<16xi32>
      %sub3A_21 = arith.constant 1 : i32
      %sub3A_22 = vector.broadcast %sub3A_21 : i32 to vector<16xi32>
      %sub3A_23 = arith.subi %and3A_20, %sub3A_22 : vector<16xi32>
      %shift_right_arithmetic3A_24 = arith.constant 16 : i32
      %shift_right_arithmetic3A_25 = vector.broadcast %shift_right_arithmetic3A_24 : i32 to vector<16xi32>
      %shift_right_arithmetic3A_26 = arith.shrsi %get3A_11, %shift_right_arithmetic3A_25 : vector<16xi32>
      %and3A_27 = arith.constant 255 : i32
      %and3A_28 = vector.broadcast %and3A_27 : i32 to vector<16xi32>
      %and3A_29 = arith.andi %shift_right_arithmetic3A_26, %and3A_28 : vector<16xi32>
      %sub3A_30 = arith.constant 1 : i32
      %sub3A_31 = vector.broadcast %sub3A_30 : i32 to vector<16xi32>
      %sub3A_32 = arith.subi %and3A_29, %sub3A_31 : vector<16xi32>
      %shift_right_arithmetic3A_33 = arith.constant 24 : i32
      %shift_right_arithmetic3A_34 = vector.broadcast %shift_right_arithmetic3A_33 : i32 to vector<16xi32>
      %shift_right_arithmetic3A_35 = arith.shrsi %get3A_11, %shift_right_arithmetic3A_34 : vector<16xi32>
      %and3A_36 = arith.constant 1 : i32
      %and3A_37 = vector.broadcast %and3A_36 : i32 to vector<16xi32>
      %and3A_38 = arith.andi %shift_right_arithmetic3A_35, %and3A_37 : vector<16xi32>
      %eq3A = arith.constant 1 : i32
      %eq3A_39 = vector.broadcast %eq3A : i32 to vector<16xi32>
      %eq3A_40 = arith.cmpi eq, %and3A_38, %eq3A_39 : vector<16xi32>
      %shift_right_arithmetic3A_41 = arith.constant 25 : i32
      %shift_right_arithmetic3A_42 = vector.broadcast %shift_right_arithmetic3A_41 : i32 to vector<16xi32>
      %shift_right_arithmetic3A_43 = arith.shrsi %get3A_11, %shift_right_arithmetic3A_42 : vector<16xi32>
      %and3A_44 = arith.constant 1 : i32
      %and3A_45 = vector.broadcast %and3A_44 : i32 to vector<16xi32>
      %and3A_46 = arith.andi %shift_right_arithmetic3A_43, %and3A_45 : vector<16xi32>
      %eq3A_47 = arith.constant 1 : i32
      %eq3A_48 = vector.broadcast %eq3A_47 : i32 to vector<16xi32>
      %eq3A_49 = arith.cmpi eq, %and3A_46, %eq3A_48 : vector<16xi32>
      %shift_right_arithmetic3A_50 = arith.constant 26 : i32
      %shift_right_arithmetic3A_51 = vector.broadcast %shift_right_arithmetic3A_50 : i32 to vector<16xi32>
      %shift_right_arithmetic3A_52 = arith.shrsi %get3A_11, %shift_right_arithmetic3A_51 : vector<16xi32>
      %and3A_53 = arith.constant 1 : i32
      %and3A_54 = vector.broadcast %and3A_53 : i32 to vector<16xi32>
      %and3A_55 = arith.andi %shift_right_arithmetic3A_52, %and3A_54 : vector<16xi32>
      %eq3A_56 = arith.constant 1 : i32
      %eq3A_57 = vector.broadcast %eq3A_56 : i32 to vector<16xi32>
      %eq3A_58 = arith.cmpi eq, %and3A_55, %eq3A_57 : vector<16xi32>
      %ge3A = arith.constant 0 : i32
      %ge3A_59 = vector.broadcast %ge3A : i32 to vector<16xi32>
      %ge3A_60 = arith.cmpi sge, %sub3A_15, %ge3A_59 : vector<16xi32>
      %le3A = arith.constant 127 : i32
      %le3A_61 = vector.broadcast %le3A : i32 to vector<16xi32>
      %le3A_62 = arith.cmpi sle, %sub3A_15, %le3A_61 : vector<16xi32>
      %and3A_63 = arith.andi %ge3A_60, %le3A_62 : vector<16xi1>
      %add3A_64 = arith.constant 1 : i32
      %add3A_65 = vector.broadcast %add3A_64 : i32 to vector<16xi32>
      %add3A_66 = arith.addi %sub3A_15, %add3A_65 : vector<16xi32>
      %le3A_67 = arith.constant 127 : i32
      %le3A_68 = vector.broadcast %le3A_67 : i32 to vector<16xi32>
      %le3A_69 = arith.cmpi sle, %add3A_66, %le3A_68 : vector<16xi32>
      %and3A_70 = arith.andi %eq3A_40, %le3A_69 : vector<16xi1>
      %add3A_71 = arith.constant 1 : i32
      %add3A_72 = vector.broadcast %add3A_71 : i32 to vector<16xi32>
      %add3A_73 = arith.addi %sub3A_15, %add3A_72 : vector<16xi32>
      %ge3A_74 = arith.constant 0 : i32
      %ge3A_75 = vector.broadcast %ge3A_74 : i32 to vector<16xi32>
      %ge3A_76 = arith.cmpi sge, %add3A_73, %ge3A_75 : vector<16xi32>
      %and3A_77 = arith.andi %and3A_70, %ge3A_76 : vector<16xi1>
      %ge3A_78 = arith.constant 0 : i32
      %ge3A_79 = vector.broadcast %ge3A_78 : i32 to vector<16xi32>
      %ge3A_80 = arith.cmpi sge, %sub3A_23, %ge3A_79 : vector<16xi32>
      %le3A_81 = arith.constant 127 : i32
      %le3A_82 = vector.broadcast %le3A_81 : i32 to vector<16xi32>
      %le3A_83 = arith.cmpi sle, %sub3A_23, %le3A_82 : vector<16xi32>
      %and3A_84 = arith.andi %ge3A_80, %le3A_83 : vector<16xi1>
      %add3A_85 = arith.constant 1 : i32
      %add3A_86 = vector.broadcast %add3A_85 : i32 to vector<16xi32>
      %add3A_87 = arith.addi %sub3A_23, %add3A_86 : vector<16xi32>
      %le3A_88 = arith.constant 127 : i32
      %le3A_89 = vector.broadcast %le3A_88 : i32 to vector<16xi32>
      %le3A_90 = arith.cmpi sle, %add3A_87, %le3A_89 : vector<16xi32>
      %and3A_91 = arith.andi %eq3A_49, %le3A_90 : vector<16xi1>
      %add3A_92 = arith.constant 1 : i32
      %add3A_93 = vector.broadcast %add3A_92 : i32 to vector<16xi32>
      %add3A_94 = arith.addi %sub3A_23, %add3A_93 : vector<16xi32>
      %ge3A_95 = arith.constant 0 : i32
      %ge3A_96 = vector.broadcast %ge3A_95 : i32 to vector<16xi32>
      %ge3A_97 = arith.cmpi sge, %add3A_94, %ge3A_96 : vector<16xi32>
      %and3A_98 = arith.andi %and3A_91, %ge3A_97 : vector<16xi1>
      %ge3A_99 = arith.constant 0 : i32
      %ge3A_100 = vector.broadcast %ge3A_99 : i32 to vector<16xi32>
      %ge3A_101 = arith.cmpi sge, %sub3A_32, %ge3A_100 : vector<16xi32>
      %le3A_102 = arith.constant 127 : i32
      %le3A_103 = vector.broadcast %le3A_102 : i32 to vector<16xi32>
      %le3A_104 = arith.cmpi sle, %sub3A_32, %le3A_103 : vector<16xi32>
      %and3A_105 = arith.andi %ge3A_101, %le3A_104 : vector<16xi1>
      %add3A_106 = arith.constant 1 : i32
      %add3A_107 = vector.broadcast %add3A_106 : i32 to vector<16xi32>
      %add3A_108 = arith.addi %sub3A_32, %add3A_107 : vector<16xi32>
      %le3A_109 = arith.constant 127 : i32
      %le3A_110 = vector.broadcast %le3A_109 : i32 to vector<16xi32>
      %le3A_111 = arith.cmpi sle, %add3A_108, %le3A_110 : vector<16xi32>
      %and3A_112 = arith.andi %eq3A_58, %le3A_111 : vector<16xi1>
      %add3A_113 = arith.constant 1 : i32
      %add3A_114 = vector.broadcast %add3A_113 : i32 to vector<16xi32>
      %add3A_115 = arith.addi %sub3A_32, %add3A_114 : vector<16xi32>
      %ge3A_116 = arith.constant 0 : i32
      %ge3A_117 = vector.broadcast %ge3A_116 : i32 to vector<16xi32>
      %ge3A_118 = arith.cmpi sge, %add3A_115, %ge3A_117 : vector<16xi32>
      %and3A_119 = arith.andi %and3A_112, %ge3A_118 : vector<16xi1>
      %add3A_120 = arith.constant 0 : i32
      %add3A_121 = vector.broadcast %add3A_120 : i32 to vector<16xi32>
      %add3A_122 = arith.addi %sub3A_32, %add3A_121 : vector<16xi32>
      %mul3A_123 = arith.constant 128 : i32
      %mul3A_124 = vector.broadcast %mul3A_123 : i32 to vector<16xi32>
      %mul3A_125 = arith.muli %add3A_122, %mul3A_124 : vector<16xi32>
      %add3A_126 = arith.constant 0 : i32
      %add3A_127 = vector.broadcast %add3A_126 : i32 to vector<16xi32>
      %add3A_128 = arith.addi %sub3A_23, %add3A_127 : vector<16xi32>
      %add3A_129 = arith.addi %mul3A_125, %add3A_128 : vector<16xi32>
      %add3A_130 = arith.constant 0 : i32
      %add3A_131 = vector.broadcast %add3A_130 : i32 to vector<16xi32>
      %add3A_132 = arith.addi %sub3A_15, %add3A_131 : vector<16xi32>
      %mul3A_133 = arith.constant 4 : i32
      %mul3A_134 = vector.broadcast %mul3A_133 : i32 to vector<16xi32>
      %mul3A_135 = arith.muli %add3A_129, %mul3A_134 : vector<16xi32>
      %shift_right_arithmetic3A_136 = arith.constant 5 : i32
      %shift_right_arithmetic3A_137 = vector.broadcast %shift_right_arithmetic3A_136 : i32 to vector<16xi32>
      %shift_right_arithmetic3A_138 = arith.shrsi %add3A_132, %shift_right_arithmetic3A_137 : vector<16xi32>
      %add3A_139 = arith.addi %mul3A_135, %shift_right_arithmetic3A_138 : vector<16xi32>
      %and3A_140 = arith.constant 65535 : i32
      %and3A_141 = vector.broadcast %and3A_140 : i32 to vector<16xi32>
      %and3A_142 = arith.andi %add3A_139, %and3A_141 : vector<16xi32>
      %gather3A = tpu.vector_load_idx %arg5[%and3A_142] : memref<65536xi32, #tpu.memory_space<vmem>>[vector<16xi32>], vector<16xi32>,
      %and3A_143 = arith.constant 31 : i32
      %and3A_144 = vector.broadcast %and3A_143 : i32 to vector<16xi32>
      %and3A_145 = arith.andi %add3A_132, %and3A_144 : vector<16xi32>
      %shift_right_arithmetic3A_146 = arith.shrsi %gather3A, %and3A_145 : vector<16xi32>
      %and3A_147 = arith.constant 1 : i32
      %and3A_148 = vector.broadcast %and3A_147 : i32 to vector<16xi32>
      %and3A_149 = arith.andi %shift_right_arithmetic3A_146, %and3A_148 : vector<16xi32>
      %eq3A_150 = arith.constant 1 : i32
      %eq3A_151 = vector.broadcast %eq3A_150 : i32 to vector<16xi32>
      %eq3A_152 = arith.cmpi eq, %and3A_149, %eq3A_151 : vector<16xi32>
      %and3A_153 = arith.andi %eq3A_152, %and3A_105 : vector<16xi1>
      %and3A_154 = arith.andi %and3A_153, %and3A_84 : vector<16xi1>
      %and3A_155 = arith.andi %and3A_154, %and3A_63 : vector<16xi1>
      %add3A_156 = arith.constant 1 : i32
      %add3A_157 = vector.broadcast %add3A_156 : i32 to vector<16xi32>
      %add3A_158 = arith.addi %sub3A_15, %add3A_157 : vector<16xi32>
      %mul3A_159 = arith.constant 4 : i32
      %mul3A_160 = vector.broadcast %mul3A_159 : i32 to vector<16xi32>
      %mul3A_161 = arith.muli %add3A_129, %mul3A_160 : vector<16xi32>
      %shift_right_arithmetic3A_162 = arith.constant 5 : i32
      %shift_right_arithmetic3A_163 = vector.broadcast %shift_right_arithmetic3A_162 : i32 to vector<16xi32>
      %shift_right_arithmetic3A_164 = arith.shrsi %add3A_158, %shift_right_arithmetic3A_163 : vector<16xi32>
      %add3A_165 = arith.addi %mul3A_161, %shift_right_arithmetic3A_164 : vector<16xi32>
      %and3A_166 = arith.constant 65535 : i32
      %and3A_167 = vector.broadcast %and3A_166 : i32 to vector<16xi32>
      %and3A_168 = arith.andi %add3A_165, %and3A_167 : vector<16xi32>
      %gather3A_169 = tpu.vector_load_idx %arg5[%and3A_168] : memref<65536xi32, #tpu.memory_space<vmem>>[vector<16xi32>], vector<16xi32>,
      %and3A_170 = arith.constant 31 : i32
      %and3A_171 = vector.broadcast %and3A_170 : i32 to vector<16xi32>
      %and3A_172 = arith.andi %add3A_158, %and3A_171 : vector<16xi32>
      %shift_right_arithmetic3A_173 = arith.shrsi %gather3A_169, %and3A_172 : vector<16xi32>
      %and3A_174 = arith.constant 1 : i32
      %and3A_175 = vector.broadcast %and3A_174 : i32 to vector<16xi32>
      %and3A_176 = arith.andi %shift_right_arithmetic3A_173, %and3A_175 : vector<16xi32>
      %eq3A_177 = arith.constant 1 : i32
      %eq3A_178 = vector.broadcast %eq3A_177 : i32 to vector<16xi32>
      %eq3A_179 = arith.cmpi eq, %and3A_176, %eq3A_178 : vector<16xi32>
      %and3A_180 = arith.andi %eq3A_179, %and3A_105 : vector<16xi1>
      %and3A_181 = arith.andi %and3A_180, %and3A_84 : vector<16xi1>
      %and3A_182 = arith.andi %and3A_181, %and3A_77 : vector<16xi1>
      %or3A = arith.ori %and3A_155, %and3A_182 : vector<16xi1>
      %add3A_183 = arith.constant 0 : i32
      %add3A_184 = vector.broadcast %add3A_183 : i32 to vector<16xi32>
      %add3A_185 = arith.addi %sub3A_32, %add3A_184 : vector<16xi32>
      %mul3A_186 = arith.constant 128 : i32
      %mul3A_187 = vector.broadcast %mul3A_186 : i32 to vector<16xi32>
      %mul3A_188 = arith.muli %add3A_185, %mul3A_187 : vector<16xi32>
      %add3A_189 = arith.constant 1 : i32
      %add3A_190 = vector.broadcast %add3A_189 : i32 to vector<16xi32>
      %add3A_191 = arith.addi %sub3A_23, %add3A_190 : vector<16xi32>
      %add3A_192 = arith.addi %mul3A_188, %add3A_191 : vector<16xi32>
      %add3A_193 = arith.constant 0 : i32
      %add3A_194 = vector.broadcast %add3A_193 : i32 to vector<16xi32>
      %add3A_195 = arith.addi %sub3A_15, %add3A_194 : vector<16xi32>
      %mul3A_196 = arith.constant 4 : i32
      %mul3A_197 = vector.broadcast %mul3A_196 : i32 to vector<16xi32>
      %mul3A_198 = arith.muli %add3A_192, %mul3A_197 : vector<16xi32>
      %shift_right_arithmetic3A_199 = arith.constant 5 : i32
      %shift_right_arithmetic3A_200 = vector.broadcast %shift_right_arithmetic3A_199 : i32 to vector<16xi32>
      %shift_right_arithmetic3A_201 = arith.shrsi %add3A_195, %shift_right_arithmetic3A_200 : vector<16xi32>
      %add3A_202 = arith.addi %mul3A_198, %shift_right_arithmetic3A_201 : vector<16xi32>
      %and3A_203 = arith.constant 65535 : i32
      %and3A_204 = vector.broadcast %and3A_203 : i32 to vector<16xi32>
      %and3A_205 = arith.andi %add3A_202, %and3A_204 : vector<16xi32>
      %gather3A_206 = tpu.vector_load_idx %arg5[%and3A_205] : memref<65536xi32, #tpu.memory_space<vmem>>[vector<16xi32>], vector<16xi32>,
      %and3A_207 = arith.constant 31 : i32
      %and3A_208 = vector.broadcast %and3A_207 : i32 to vector<16xi32>
      %and3A_209 = arith.andi %add3A_195, %and3A_208 : vector<16xi32>
      %shift_right_arithmetic3A_210 = arith.shrsi %gather3A_206, %and3A_209 : vector<16xi32>
      %and3A_211 = arith.constant 1 : i32
      %and3A_212 = vector.broadcast %and3A_211 : i32 to vector<16xi32>
      %and3A_213 = arith.andi %shift_right_arithmetic3A_210, %and3A_212 : vector<16xi32>
      %eq3A_214 = arith.constant 1 : i32
      %eq3A_215 = vector.broadcast %eq3A_214 : i32 to vector<16xi32>
      %eq3A_216 = arith.cmpi eq, %and3A_213, %eq3A_215 : vector<16xi32>
      %and3A_217 = arith.andi %eq3A_216, %and3A_105 : vector<16xi1>
      %and3A_218 = arith.andi %and3A_217, %and3A_98 : vector<16xi1>
      %and3A_219 = arith.andi %and3A_218, %and3A_63 : vector<16xi1>
      %or3A_220 = arith.ori %or3A, %and3A_219 : vector<16xi1>
      %add3A_221 = arith.constant 1 : i32
      %add3A_222 = vector.broadcast %add3A_221 : i32 to vector<16xi32>
      %add3A_223 = arith.addi %sub3A_15, %add3A_222 : vector<16xi32>
      %mul3A_224 = arith.constant 4 : i32
      %mul3A_225 = vector.broadcast %mul3A_224 : i32 to vector<16xi32>
      %mul3A_226 = arith.muli %add3A_192, %mul3A_225 : vector<16xi32>
      %shift_right_arithmetic3A_227 = arith.constant 5 : i32
      %shift_right_arithmetic3A_228 = vector.broadcast %shift_right_arithmetic3A_227 : i32 to vector<16xi32>
      %shift_right_arithmetic3A_229 = arith.shrsi %add3A_223, %shift_right_arithmetic3A_228 : vector<16xi32>
      %add3A_230 = arith.addi %mul3A_226, %shift_right_arithmetic3A_229 : vector<16xi32>
      %and3A_231 = arith.constant 65535 : i32
      %and3A_232 = vector.broadcast %and3A_231 : i32 to vector<16xi32>
      %and3A_233 = arith.andi %add3A_230, %and3A_232 : vector<16xi32>
      %gather3A_234 = tpu.vector_load_idx %arg5[%and3A_233] : memref<65536xi32, #tpu.memory_space<vmem>>[vector<16xi32>], vector<16xi32>,
      %and3A_235 = arith.constant 31 : i32
      %and3A_236 = vector.broadcast %and3A_235 : i32 to vector<16xi32>
      %and3A_237 = arith.andi %add3A_223, %and3A_236 : vector<16xi32>
      %shift_right_arithmetic3A_238 = arith.shrsi %gather3A_234, %and3A_237 : vector<16xi32>
      %and3A_239 = arith.constant 1 : i32
      %and3A_240 = vector.broadcast %and3A_239 : i32 to vector<16xi32>
      %and3A_241 = arith.andi %shift_right_arithmetic3A_238, %and3A_240 : vector<16xi32>
      %eq3A_242 = arith.constant 1 : i32
      %eq3A_243 = vector.broadcast %eq3A_242 : i32 to vector<16xi32>
      %eq3A_244 = arith.cmpi eq, %and3A_241, %eq3A_243 : vector<16xi32>
      %and3A_245 = arith.andi %eq3A_244, %and3A_105 : vector<16xi1>
      %and3A_246 = arith.andi %and3A_245, %and3A_98 : vector<16xi1>
      %and3A_247 = arith.andi %and3A_246, %and3A_77 : vector<16xi1>
      %or3A_248 = arith.ori %or3A_220, %and3A_247 : vector<16xi1>
      %add3A_249 = arith.constant 1 : i32
      %add3A_250 = vector.broadcast %add3A_249 : i32 to vector<16xi32>
      %add3A_251 = arith.addi %sub3A_32, %add3A_250 : vector<16xi32>
      %mul3A_252 = arith.constant 128 : i32
      %mul3A_253 = vector.broadcast %mul3A_252 : i32 to vector<16xi32>
      %mul3A_254 = arith.muli %add3A_251, %mul3A_253 : vector<16xi32>
      %add3A_255 = arith.constant 0 : i32
      %add3A_256 = vector.broadcast %add3A_255 : i32 to vector<16xi32>
      %add3A_257 = arith.addi %sub3A_23, %add3A_256 : vector<16xi32>
      %add3A_258 = arith.addi %mul3A_254, %add3A_257 : vector<16xi32>
      %add3A_259 = arith.constant 0 : i32
      %add3A_260 = vector.broadcast %add3A_259 : i32 to vector<16xi32>
      %add3A_261 = arith.addi %sub3A_15, %add3A_260 : vector<16xi32>
      %mul3A_262 = arith.constant 4 : i32
      %mul3A_263 = vector.broadcast %mul3A_262 : i32 to vector<16xi32>
      %mul3A_264 = arith.muli %add3A_258, %mul3A_263 : vector<16xi32>
      %shift_right_arithmetic3A_265 = arith.constant 5 : i32
      %shift_right_arithmetic3A_266 = vector.broadcast %shift_right_arithmetic3A_265 : i32 to vector<16xi32>
      %shift_right_arithmetic3A_267 = arith.shrsi %add3A_261, %shift_right_arithmetic3A_266 : vector<16xi32>
      %add3A_268 = arith.addi %mul3A_264, %shift_right_arithmetic3A_267 : vector<16xi32>
      %and3A_269 = arith.constant 65535 : i32
      %and3A_270 = vector.broadcast %and3A_269 : i32 to vector<16xi32>
      %and3A_271 = arith.andi %add3A_268, %and3A_270 : vector<16xi32>
      %gather3A_272 = tpu.vector_load_idx %arg5[%and3A_271] : memref<65536xi32, #tpu.memory_space<vmem>>[vector<16xi32>], vector<16xi32>,
      %and3A_273 = arith.constant 31 : i32
      %and3A_274 = vector.broadcast %and3A_273 : i32 to vector<16xi32>
      %and3A_275 = arith.andi %add3A_261, %and3A_274 : vector<16xi32>
      %shift_right_arithmetic3A_276 = arith.shrsi %gather3A_272, %and3A_275 : vector<16xi32>
      %and3A_277 = arith.constant 1 : i32
      %and3A_278 = vector.broadcast %and3A_277 : i32 to vector<16xi32>
      %and3A_279 = arith.andi %shift_right_arithmetic3A_276, %and3A_278 : vector<16xi32>
      %eq3A_280 = arith.constant 1 : i32
      %eq3A_281 = vector.broadcast %eq3A_280 : i32 to vector<16xi32>
      %eq3A_282 = arith.cmpi eq, %and3A_279, %eq3A_281 : vector<16xi32>
      %and3A_283 = arith.andi %eq3A_282, %and3A_119 : vector<16xi1>
      %and3A_284 = arith.andi %and3A_283, %and3A_84 : vector<16xi1>
      %and3A_285 = arith.andi %and3A_284, %and3A_63 : vector<16xi1>
      %or3A_286 = arith.ori %or3A_248, %and3A_285 : vector<16xi1>
      %add3A_287 = arith.constant 1 : i32
      %add3A_288 = vector.broadcast %add3A_287 : i32 to vector<16xi32>
      %add3A_289 = arith.addi %sub3A_15, %add3A_288 : vector<16xi32>
      %mul3A_290 = arith.constant 4 : i32
      %mul3A_291 = vector.broadcast %mul3A_290 : i32 to vector<16xi32>
      %mul3A_292 = arith.muli %add3A_258, %mul3A_291 : vector<16xi32>
      %shift_right_arithmetic3A_293 = arith.constant 5 : i32
      %shift_right_arithmetic3A_294 = vector.broadcast %shift_right_arithmetic3A_293 : i32 to vector<16xi32>
      %shift_right_arithmetic3A_295 = arith.shrsi %add3A_289, %shift_right_arithmetic3A_294 : vector<16xi32>
      %add3A_296 = arith.addi %mul3A_292, %shift_right_arithmetic3A_295 : vector<16xi32>
      %and3A_297 = arith.constant 65535 : i32
      %and3A_298 = vector.broadcast %and3A_297 : i32 to vector<16xi32>
      %and3A_299 = arith.andi %add3A_296, %and3A_298 : vector<16xi32>
      %gather3A_300 = tpu.vector_load_idx %arg5[%and3A_299] : memref<65536xi32, #tpu.memory_space<vmem>>[vector<16xi32>], vector<16xi32>,
      %and3A_301 = arith.constant 31 : i32
      %and3A_302 = vector.broadcast %and3A_301 : i32 to vector<16xi32>
      %and3A_303 = arith.andi %add3A_289, %and3A_302 : vector<16xi32>
      %shift_right_arithmetic3A_304 = arith.shrsi %gather3A_300, %and3A_303 : vector<16xi32>
      %and3A_305 = arith.constant 1 : i32
      %and3A_306 = vector.broadcast %and3A_305 : i32 to vector<16xi32>
      %and3A_307 = arith.andi %shift_right_arithmetic3A_304, %and3A_306 : vector<16xi32>
      %eq3A_308 = arith.constant 1 : i32
      %eq3A_309 = vector.broadcast %eq3A_308 : i32 to vector<16xi32>
      %eq3A_310 = arith.cmpi eq, %and3A_307, %eq3A_309 : vector<16xi32>
      %and3A_311 = arith.andi %eq3A_310, %and3A_119 : vector<16xi1>
      %and3A_312 = arith.andi %and3A_311, %and3A_84 : vector<16xi1>
      %and3A_313 = arith.andi %and3A_312, %and3A_77 : vector<16xi1>
      %or3A_314 = arith.ori %or3A_286, %and3A_313 : vector<16xi1>
      %add3A_315 = arith.constant 1 : i32
      %add3A_316 = vector.broadcast %add3A_315 : i32 to vector<16xi32>
      %add3A_317 = arith.addi %sub3A_32, %add3A_316 : vector<16xi32>
      %mul3A_318 = arith.constant 128 : i32
      %mul3A_319 = vector.broadcast %mul3A_318 : i32 to vector<16xi32>
      %mul3A_320 = arith.muli %add3A_317, %mul3A_319 : vector<16xi32>
      %add3A_321 = arith.constant 1 : i32
      %add3A_322 = vector.broadcast %add3A_321 : i32 to vector<16xi32>
      %add3A_323 = arith.addi %sub3A_23, %add3A_322 : vector<16xi32>
      %add3A_324 = arith.addi %mul3A_320, %add3A_323 : vector<16xi32>
      %add3A_325 = arith.constant 0 : i32
      %add3A_326 = vector.broadcast %add3A_325 : i32 to vector<16xi32>
      %add3A_327 = arith.addi %sub3A_15, %add3A_326 : vector<16xi32>
      %mul3A_328 = arith.constant 4 : i32
      %mul3A_329 = vector.broadcast %mul3A_328 : i32 to vector<16xi32>
      %mul3A_330 = arith.muli %add3A_324, %mul3A_329 : vector<16xi32>
      %shift_right_arithmetic3A_331 = arith.constant 5 : i32
      %shift_right_arithmetic3A_332 = vector.broadcast %shift_right_arithmetic3A_331 : i32 to vector<16xi32>
      %shift_right_arithmetic3A_333 = arith.shrsi %add3A_327, %shift_right_arithmetic3A_332 : vector<16xi32>
      %add3A_334 = arith.addi %mul3A_330, %shift_right_arithmetic3A_333 : vector<16xi32>
      %and3A_335 = arith.constant 65535 : i32
      %and3A_336 = vector.broadcast %and3A_335 : i32 to vector<16xi32>
      %and3A_337 = arith.andi %add3A_334, %and3A_336 : vector<16xi32>
      %gather3A_338 = tpu.vector_load_idx %arg5[%and3A_337] : memref<65536xi32, #tpu.memory_space<vmem>>[vector<16xi32>], vector<16xi32>,
      %and3A_339 = arith.constant 31 : i32
      %and3A_340 = vector.broadcast %and3A_339 : i32 to vector<16xi32>
      %and3A_341 = arith.andi %add3A_327, %and3A_340 : vector<16xi32>
      %shift_right_arithmetic3A_342 = arith.shrsi %gather3A_338, %and3A_341 : vector<16xi32>
      %and3A_343 = arith.constant 1 : i32
      %and3A_344 = vector.broadcast %and3A_343 : i32 to vector<16xi32>
      %and3A_345 = arith.andi %shift_right_arithmetic3A_342, %and3A_344 : vector<16xi32>
      %eq3A_346 = arith.constant 1 : i32
      %eq3A_347 = vector.broadcast %eq3A_346 : i32 to vector<16xi32>
      %eq3A_348 = arith.cmpi eq, %and3A_345, %eq3A_347 : vector<16xi32>
      %and3A_349 = arith.andi %eq3A_348, %and3A_119 : vector<16xi1>
      %and3A_350 = arith.andi %and3A_349, %and3A_98 : vector<16xi1>
      %and3A_351 = arith.andi %and3A_350, %and3A_63 : vector<16xi1>
      %or3A_352 = arith.ori %or3A_314, %and3A_351 : vector<16xi1>
      %add3A_353 = arith.constant 1 : i32
      %add3A_354 = vector.broadcast %add3A_353 : i32 to vector<16xi32>
      %add3A_355 = arith.addi %sub3A_15, %add3A_354 : vector<16xi32>
      %mul3A_356 = arith.constant 4 : i32
      %mul3A_357 = vector.broadcast %mul3A_356 : i32 to vector<16xi32>
      %mul3A_358 = arith.muli %add3A_324, %mul3A_357 : vector<16xi32>
      %shift_right_arithmetic3A_359 = arith.constant 5 : i32
      %shift_right_arithmetic3A_360 = vector.broadcast %shift_right_arithmetic3A_359 : i32 to vector<16xi32>
      %shift_right_arithmetic3A_361 = arith.shrsi %add3A_355, %shift_right_arithmetic3A_360 : vector<16xi32>
      %add3A_362 = arith.addi %mul3A_358, %shift_right_arithmetic3A_361 : vector<16xi32>
      %and3A_363 = arith.constant 65535 : i32
      %and3A_364 = vector.broadcast %and3A_363 : i32 to vector<16xi32>
      %and3A_365 = arith.andi %add3A_362, %and3A_364 : vector<16xi32>
      %gather3A_366 = tpu.vector_load_idx %arg5[%and3A_365] : memref<65536xi32, #tpu.memory_space<vmem>>[vector<16xi32>], vector<16xi32>,
      %and3A_367 = arith.constant 31 : i32
      %and3A_368 = vector.broadcast %and3A_367 : i32 to vector<16xi32>
      %and3A_369 = arith.andi %add3A_355, %and3A_368 : vector<16xi32>
      %shift_right_arithmetic3A_370 = arith.shrsi %gather3A_366, %and3A_369 : vector<16xi32>
      %and3A_371 = arith.constant 1 : i32
      %and3A_372 = vector.broadcast %and3A_371 : i32 to vector<16xi32>
      %and3A_373 = arith.andi %shift_right_arithmetic3A_370, %and3A_372 : vector<16xi32>
      %eq3A_374 = arith.constant 1 : i32
      %eq3A_375 = vector.broadcast %eq3A_374 : i32 to vector<16xi32>
      %eq3A_376 = arith.cmpi eq, %and3A_373, %eq3A_375 : vector<16xi32>
      %and3A_377 = arith.andi %eq3A_376, %and3A_119 : vector<16xi1>
      %and3A_378 = arith.andi %and3A_377, %and3A_98 : vector<16xi1>
      %and3A_379 = arith.andi %and3A_378, %and3A_77 : vector<16xi1>
      %or3A_380 = arith.ori %or3A_352, %and3A_379 : vector<16xi1>
      %jit3A = arith.constant 1.000000e+00 : f32
      %jit3A_381 = arith.constant 0.000000e+00 : f32
      %broadcast_in_dim3A = vector.broadcast %jit3A : f32 to vector<16xf32>
      %broadcast_in_dim3A_382 = vector.broadcast %jit3A_381 : f32 to vector<16xf32>
      %select_n3A = arith.select %or3A_380, %broadcast_in_dim3A, %broadcast_in_dim3A_382 : vector<16xi1>, vector<16xf32>
      %mul3A_383 = arith.constant 16 : i32
      %mul3A_384 = arith.muli %scan3A_8, %mul3A_383 : i32
      %swap3A = arith.index_cast %mul3A_384 : i32 to index
      %swap3A_385 = tpu.vector_load %arg7[%swap3A] {strides = array<i32>} : memref<8192xf32, #tpu.memory_space<vmem>>, vector<16xf32>,
      tpu.vector_store %arg7[%swap3A], %select_n3A {strides = array<i32>} : memref<8192xf32, #tpu.memory_space<vmem>>, vector<16xf32>,
    }
    %scan3A_7 = arith.constant 512 : i32
    "tpu.region"() ({
      %run_scoped3A = tpu.sem_alloc : memref<!tpu.dma_semaphore, #tpu.memory_space<semaphore_mem>>
      %dma_start3A = tpu.memref_slice %arg4[%mul3A_2] : memref<262144xf32, #tpu.memory_space<hbm>> -> memref<8192xf32, #tpu.memory_space<hbm>>
      %dma_start3A_8 = tpu.memref_slice %arg4[%mul3A_2] : memref<262144xf32, #tpu.memory_space<hbm>> -> memref<8192xf32, #tpu.memory_space<hbm>>
      tpu.enqueue_dma source(%arg7 : memref<8192xf32, #tpu.memory_space<vmem>>) target(%dma_start3A_8 : memref<8192xf32, #tpu.memory_space<hbm>>) target_semaphore(%run_scoped3A : memref<!tpu.dma_semaphore, #tpu.memory_space<semaphore_mem>>)
      %dma_wait3A = tpu.memref_slice %arg4[%mul3A_2] : memref<262144xf32, #tpu.memory_space<hbm>> -> memref<8192xf32, #tpu.memory_space<hbm>>
      %dma_wait3A_9 = tpu.memref_slice %arg4[%mul3A_2] : memref<262144xf32, #tpu.memory_space<hbm>> -> memref<8192xf32, #tpu.memory_space<hbm>>
      tpu.wait_dma2 semaphore(%run_scoped3A : memref<!tpu.dma_semaphore, #tpu.memory_space<semaphore_mem>>) src(%arg7 : memref<8192xf32, #tpu.memory_space<vmem>>) dst(%dma_wait3A_9 : memref<8192xf32, #tpu.memory_space<hbm>>)
      tpu.yield
    }) : () -> ()
    return
  }
}

module attributes {stable_mosaic.version = 14 : i64} {
  func.func @_pack_body(%arg0: i32, %arg1: memref<16384x128xf32, #tpu.memory_space<vmem>>, %arg2: memref<16384x4xi32, #tpu.memory_space<vmem>>) attributes {dimension_semantics = [#tpu.dimension_semantics<arbitrary>], iteration_bounds = array<i64: 1>, scalar_prefetch = 0 : i64, scratch_operands = 0 : i64, tpu.core_type = #tpu.core_type<tc>, window_params = [{pipeline_mode = #tpu.pipeline_mode<synchronous>, transform_indices = @transform_0, window_bounds = array<i64: 16384, 128>}, {pipeline_mode = #tpu.pipeline_mode<synchronous>, transform_indices = @transform_1, window_bounds = array<i64: 16384, 4>}]} {
    %get3A = arith.constant 0 : index
    %get3A_0 = arith.constant 0 : index
    %get3A_1 = vector.load %arg1[%get3A, %get3A_0] : memref<16384x128xf32, #tpu.memory_space<vmem>>, vector<16384x128xf32>
    %ne3A = arith.constant 0.000000e+00 : f32
    %ne3A_2 = vector.broadcast %ne3A : f32 to vector<16384x128xf32>
    %ne3A_3 = arith.cmpf one, %get3A_1, %ne3A_2 : vector<16384x128xf32>
    %convert_element_type3A = arith.extui %ne3A_3 : vector<16384x128xi1> to vector<16384x128xi32>
    %iota3A = tpu.iota {dimensions = array<i32: 1>} : vector<16384x128xi32>
    %and3A = arith.constant 31 : i32
    %and3A_4 = vector.broadcast %and3A : i32 to vector<16384x128xi32>
    %and3A_5 = arith.andi %iota3A, %and3A_4 : vector<16384x128xi32>
    %shift_left3A = arith.shli %convert_element_type3A, %and3A_5 : vector<16384x128xi32>
    %and3A_6 = arith.constant 31 : i32
    %and3A_7 = vector.broadcast %and3A_6 : i32 to vector<16384x128xi32>
    %and3A_8 = arith.andi %iota3A, %and3A_7 : vector<16384x128xi32>
    %le3A = arith.constant 30 : i32
    %le3A_9 = vector.broadcast %le3A : i32 to vector<16384x128xi32>
    %le3A_10 = arith.cmpi sle, %and3A_8, %le3A_9 : vector<16384x128xi32>
    %roll3A = arith.constant 127 : i32
    %roll3A_11 = tpu.dynamic_rotate %shift_left3A by %roll3A dim 1 : vector<16384x128xi32>, i32 -> vector<16384x128xi32>
    %jit3A = arith.constant 0 : i32
    %broadcast_in_dim3A = vector.broadcast %jit3A : i32 to vector<16384x128xi32>
    %select_n3A = arith.select %le3A_10, %roll3A_11, %broadcast_in_dim3A : vector<16384x128xi1>, vector<16384x128xi32>
    %add3A = arith.addi %shift_left3A, %select_n3A : vector<16384x128xi32>
    %le3A_12 = arith.constant 29 : i32
    %le3A_13 = vector.broadcast %le3A_12 : i32 to vector<16384x128xi32>
    %le3A_14 = arith.cmpi sle, %and3A_8, %le3A_13 : vector<16384x128xi32>
    %roll3A_15 = arith.constant 126 : i32
    %roll3A_16 = tpu.dynamic_rotate %add3A by %roll3A_15 dim 1 : vector<16384x128xi32>, i32 -> vector<16384x128xi32>
    %jit3A_17 = arith.constant 0 : i32
    %broadcast_in_dim3A_18 = vector.broadcast %jit3A_17 : i32 to vector<16384x128xi32>
    %select_n3A_19 = arith.select %le3A_14, %roll3A_16, %broadcast_in_dim3A_18 : vector<16384x128xi1>, vector<16384x128xi32>
    %add3A_20 = arith.addi %add3A, %select_n3A_19 : vector<16384x128xi32>
    %le3A_21 = arith.constant 27 : i32
    %le3A_22 = vector.broadcast %le3A_21 : i32 to vector<16384x128xi32>
    %le3A_23 = arith.cmpi sle, %and3A_8, %le3A_22 : vector<16384x128xi32>
    %roll3A_24 = arith.constant 124 : i32
    %roll3A_25 = tpu.dynamic_rotate %add3A_20 by %roll3A_24 dim 1 : vector<16384x128xi32>, i32 -> vector<16384x128xi32>
    %jit3A_26 = arith.constant 0 : i32
    %broadcast_in_dim3A_27 = vector.broadcast %jit3A_26 : i32 to vector<16384x128xi32>
    %select_n3A_28 = arith.select %le3A_23, %roll3A_25, %broadcast_in_dim3A_27 : vector<16384x128xi1>, vector<16384x128xi32>
    %add3A_29 = arith.addi %add3A_20, %select_n3A_28 : vector<16384x128xi32>
    %le3A_30 = arith.constant 23 : i32
    %le3A_31 = vector.broadcast %le3A_30 : i32 to vector<16384x128xi32>
    %le3A_32 = arith.cmpi sle, %and3A_8, %le3A_31 : vector<16384x128xi32>
    %roll3A_33 = arith.constant 120 : i32
    %roll3A_34 = tpu.dynamic_rotate %add3A_29 by %roll3A_33 dim 1 : vector<16384x128xi32>, i32 -> vector<16384x128xi32>
    %jit3A_35 = arith.constant 0 : i32
    %broadcast_in_dim3A_36 = vector.broadcast %jit3A_35 : i32 to vector<16384x128xi32>
    %select_n3A_37 = arith.select %le3A_32, %roll3A_34, %broadcast_in_dim3A_36 : vector<16384x128xi1>, vector<16384x128xi32>
    %add3A_38 = arith.addi %add3A_29, %select_n3A_37 : vector<16384x128xi32>
    %le3A_39 = arith.constant 15 : i32
    %le3A_40 = vector.broadcast %le3A_39 : i32 to vector<16384x128xi32>
    %le3A_41 = arith.cmpi sle, %and3A_8, %le3A_40 : vector<16384x128xi32>
    %roll3A_42 = arith.constant 112 : i32
    %roll3A_43 = tpu.dynamic_rotate %add3A_38 by %roll3A_42 dim 1 : vector<16384x128xi32>, i32 -> vector<16384x128xi32>
    %jit3A_44 = arith.constant 0 : i32
    %broadcast_in_dim3A_45 = vector.broadcast %jit3A_44 : i32 to vector<16384x128xi32>
    %select_n3A_46 = arith.select %le3A_41, %roll3A_43, %broadcast_in_dim3A_45 : vector<16384x128xi1>, vector<16384x128xi32>
    %add3A_47 = arith.addi %add3A_38, %select_n3A_46 : vector<16384x128xi32>
    %slice3A = vector.extract_strided_slice %add3A_47 {offsets = [0, 0], sizes = [16384, 1], strides = [1, 1]} : vector<16384x128xi32> to vector<16384x1xi32>
    %slice3A_48 = vector.extract_strided_slice %add3A_47 {offsets = [0, 32], sizes = [16384, 1], strides = [1, 1]} : vector<16384x128xi32> to vector<16384x1xi32>
    %slice3A_49 = vector.extract_strided_slice %add3A_47 {offsets = [0, 64], sizes = [16384, 1], strides = [1, 1]} : vector<16384x128xi32> to vector<16384x1xi32>
    %slice3A_50 = vector.extract_strided_slice %add3A_47 {offsets = [0, 96], sizes = [16384, 1], strides = [1, 1]} : vector<16384x128xi32> to vector<16384x1xi32>
    %concatenate3A = tpu.concatenate %slice3A, %slice3A_48, %slice3A_49, %slice3A_50 in 1 : vector<16384x1xi32>, vector<16384x1xi32>, vector<16384x1xi32>, vector<16384x1xi32> -> vector<16384x4xi32>
    %swap3A = arith.constant 0 : index
    %swap3A_51 = arith.constant 0 : index
    %swap3A_52 = vector.load %arg2[%swap3A, %swap3A_51] : memref<16384x4xi32, #tpu.memory_space<vmem>>, vector<16384x4xi32>
    tpu.vector_store %arg2[%swap3A, %swap3A_51], %concatenate3A {strides = array<i32>} : memref<16384x4xi32, #tpu.memory_space<vmem>>, vector<16384x4xi32>,
    return
  }
  func.func @transform_0(%arg0: i32) -> (i32, i32) {
    %c0_i32 = arith.constant 0 : i32
    %c0_i32_0 = arith.constant 0 : i32
    %c0_i32_1 = arith.constant 0 : i32
    return %c0_i32, %c0_i32_0 : i32, i32
  }
  func.func @transform_1(%arg0: i32) -> (i32, i32) {
    %c0_i32 = arith.constant 0 : i32
    %c0_i32_0 = arith.constant 0 : i32
    %c0_i32_1 = arith.constant 0 : i32
    return %c0_i32, %c0_i32_0 : i32, i32
  }
}

module attributes {stable_mosaic.version = 14 : i64} {
  func.func @_codes_body(%arg0: i32, %arg1: memref<3x8192xf32, #tpu.memory_space<vmem>>, %arg2: memref<3x8192xf32, #tpu.memory_space<vmem>>, %arg3: memref<1x8192xf32, #tpu.memory_space<vmem>>, %arg4: memref<1x8192xi32, #tpu.memory_space<vmem>>, %arg5: memref<1x8192xi32, #tpu.memory_space<vmem>>) attributes {dimension_semantics = [#tpu.dimension_semantics<arbitrary>], iteration_bounds = array<i64: 32>, scalar_prefetch = 0 : i64, scratch_operands = 0 : i64, tpu.core_type = #tpu.core_type<tc>, window_params = [{transform_indices = @transform_0, window_bounds = array<i64: 3, 8192>}, {transform_indices = @transform_1, window_bounds = array<i64: 3, 8192>}, {pipeline_mode = #tpu.pipeline_mode<synchronous>, transform_indices = @transform_2, window_bounds = array<i64: 1, 8192>}, {pipeline_mode = #tpu.pipeline_mode<synchronous>, transform_indices = @transform_3, window_bounds = array<i64: 1, 8192>}, {transform_indices = @transform_4, window_bounds = array<i64: 1, 8192>}]} {
    %get3A = arith.constant 0 : index
    %get3A_0 = arith.constant 0 : index
    %get3A_1 = vector.load %arg1[%get3A, %get3A_0] : memref<3x8192xf32, #tpu.memory_space<vmem>>, vector<3x8192xf32>
    %get3A_2 = arith.constant 0 : index
    %get3A_3 = arith.constant 0 : index
    %get3A_4 = vector.load %arg2[%get3A_2, %get3A_3] : memref<3x8192xf32, #tpu.memory_space<vmem>>, vector<3x8192xf32>
    %get3A_5 = arith.constant 0 : index
    %get3A_6 = arith.constant 0 : index
    %get3A_7 = vector.load %arg3[%get3A_5, %get3A_6] : memref<1x8192xf32, #tpu.memory_space<vmem>>, vector<1x8192xf32>
    %mul3A = vector.broadcast %get3A_7 : vector<1x8192xf32> to vector<3x8192xf32>
    %mul3A_8 = arith.mulf %get3A_4, %mul3A : vector<3x8192xf32>
    %add3A = arith.addf %get3A_1, %mul3A_8 : vector<3x8192xf32>
    %abs3A = math.absf %add3A : vector<3x8192xf32>
    %reduce_max3A = arith.constant dense<0xFF800000> : vector<8192xf32>
    %reduce_max3A_9 = vector.multi_reduction <maximumf>, %abs3A, %reduce_max3A [0] : vector<3x8192xf32> to vector<8192xf32>
    %broadcast_in_dim3A = vector.shape_cast %reduce_max3A_9 : vector<8192xf32> to vector<1x8192xf32>
    %max3A = arith.constant 9.99999996E-13 : f32
    %max3A_10 = vector.broadcast %max3A : f32 to vector<1x8192xf32>
    %max3A_11 = arith.maximumf %broadcast_in_dim3A, %max3A_10 : vector<1x8192xf32>
    %le3A = arith.constant 1.000000e+00 : f32
    %le3A_12 = vector.broadcast %le3A : f32 to vector<1x8192xf32>
    %le3A_13 = arith.cmpf ole, %broadcast_in_dim3A, %le3A_12 : vector<1x8192xf32>
    %div3A = arith.constant 1.000000e+00 : f32
    %div3A_14 = vector.broadcast %div3A : f32 to vector<1x8192xf32>
    %div3A_15 = arith.divf %div3A_14, %max3A_11 : vector<1x8192xf32>
    %sub3A = arith.constant 2.000000e+00 : f32
    %sub3A_16 = vector.broadcast %sub3A : f32 to vector<1x8192xf32>
    %sub3A_17 = arith.subf %sub3A_16, %div3A_15 : vector<1x8192xf32>
    %mul3A_18 = vector.broadcast %sub3A_17 : vector<1x8192xf32> to vector<3x8192xf32>
    %mul3A_19 = arith.mulf %mul3A_18, %add3A : vector<3x8192xf32>
    %div3A_20 = vector.broadcast %max3A_11 : vector<1x8192xf32> to vector<3x8192xf32>
    %div3A_21 = arith.divf %mul3A_19, %div3A_20 : vector<3x8192xf32>
    %broadcast_in_dim3A_22 = vector.shape_cast %le3A_13 : vector<1x8192xi1> to vector<1x8192xi1>
    %broadcast_in_dim3A_23 = vector.broadcast %broadcast_in_dim3A_22 : vector<1x8192xi1> to vector<3x8192xi1>
    %select_n3A = arith.select %broadcast_in_dim3A_23, %add3A, %div3A_21 : vector<3x8192xi1>, vector<3x8192xf32>
    %div3A_24 = arith.constant 2.000000e+00 : f32
    %div3A_25 = vector.broadcast %div3A_24 : f32 to vector<3x8192xf32>
    %div3A_26 = arith.divf %select_n3A, %div3A_25 : vector<3x8192xf32>
    %add3A_27 = arith.constant 1.000000e+00 : f32
    %add3A_28 = vector.broadcast %add3A_27 : f32 to vector<3x8192xf32>
    %add3A_29 = arith.addf %div3A_26, %add3A_28 : vector<3x8192xf32>
    %mul3A_30 = arith.constant 1.280000e+02 : f32
    %mul3A_31 = vector.broadcast %mul3A_30 : f32 to vector<3x8192xf32>
    %mul3A_32 = arith.mulf %add3A_29, %mul3A_31 : vector<3x8192xf32>
    %sub3A_33 = arith.constant 1.000000e+00 : f32
    %sub3A_34 = vector.broadcast %sub3A_33 : f32 to vector<3x8192xf32>
    %sub3A_35 = arith.subf %mul3A_32, %sub3A_34 : vector<3x8192xf32>
    %div3A_36 = arith.constant 2.000000e+00 : f32
    %div3A_37 = vector.broadcast %div3A_36 : f32 to vector<3x8192xf32>
    %div3A_38 = arith.divf %sub3A_35, %div3A_37 : vector<3x8192xf32>
    %floor3A = math.floor %div3A_38 : vector<3x8192xf32>
    %convert_element_type3A = arith.fptosi %floor3A : vector<3x8192xf32> to vector<3x8192xi32>
    %add3A_39 = arith.constant 1 : i32
    %add3A_40 = vector.broadcast %add3A_39 : i32 to vector<3x8192xi32>
    %add3A_41 = arith.addi %convert_element_type3A, %add3A_40 : vector<3x8192xi32>
    %gt3A = arith.cmpf ogt, %div3A_38, %floor3A : vector<3x8192xf32>
    %convert_element_type3A_42 = arith.extui %gt3A : vector<3x8192xi1> to vector<3x8192xi32>
    %broadcast_in_dim3A_43 = arith.constant 0 : i32
    %broadcast_in_dim3A_44 = vector.broadcast %broadcast_in_dim3A_43 : i32 to vector<1x8192xi32>
    %slice3A = vector.extract_strided_slice %add3A_41 {offsets = [0, 0], sizes = [1, 8192], strides = [1, 1]} : vector<3x8192xi32> to vector<1x8192xi32>
    %mul3A_45 = arith.constant 1 : i32
    %mul3A_46 = vector.broadcast %mul3A_45 : i32 to vector<1x8192xi32>
    %mul3A_47 = arith.muli %slice3A, %mul3A_46 : vector<1x8192xi32>
    %slice3A_48 = vector.extract_strided_slice %convert_element_type3A_42 {offsets = [0, 0], sizes = [1, 8192], strides = [1, 1]} : vector<3x8192xi32> to vector<1x8192xi32>
    %mul3A_49 = arith.constant 16777216 : i32
    %mul3A_50 = vector.broadcast %mul3A_49 : i32 to vector<1x8192xi32>
    %mul3A_51 = arith.muli %slice3A_48, %mul3A_50 : vector<1x8192xi32>
    %add3A_52 = arith.addi %mul3A_47, %mul3A_51 : vector<1x8192xi32>
    %add3A_53 = arith.addi %broadcast_in_dim3A_44, %add3A_52 : vector<1x8192xi32>
    %slice3A_54 = vector.extract_strided_slice %add3A_41 {offsets = [1, 0], sizes = [1, 8192], strides = [1, 1]} : vector<3x8192xi32> to vector<1x8192xi32>
    %mul3A_55 = arith.constant 256 : i32
    %mul3A_56 = vector.broadcast %mul3A_55 : i32 to vector<1x8192xi32>
    %mul3A_57 = arith.muli %slice3A_54, %mul3A_56 : vector<1x8192xi32>
    %slice3A_58 = vector.extract_strided_slice %convert_element_type3A_42 {offsets = [1, 0], sizes = [1, 8192], strides = [1, 1]} : vector<3x8192xi32> to vector<1x8192xi32>
    %mul3A_59 = arith.constant 33554432 : i32
    %mul3A_60 = vector.broadcast %mul3A_59 : i32 to vector<1x8192xi32>
    %mul3A_61 = arith.muli %slice3A_58, %mul3A_60 : vector<1x8192xi32>
    %add3A_62 = arith.addi %mul3A_57, %mul3A_61 : vector<1x8192xi32>
    %add3A_63 = arith.addi %add3A_53, %add3A_62 : vector<1x8192xi32>
    %slice3A_64 = vector.extract_strided_slice %add3A_41 {offsets = [2, 0], sizes = [1, 8192], strides = [1, 1]} : vector<3x8192xi32> to vector<1x8192xi32>
    %mul3A_65 = arith.constant 65536 : i32
    %mul3A_66 = vector.broadcast %mul3A_65 : i32 to vector<1x8192xi32>
    %mul3A_67 = arith.muli %slice3A_64, %mul3A_66 : vector<1x8192xi32>
    %slice3A_68 = vector.extract_strided_slice %convert_element_type3A_42 {offsets = [2, 0], sizes = [1, 8192], strides = [1, 1]} : vector<3x8192xi32> to vector<1x8192xi32>
    %mul3A_69 = arith.constant 67108864 : i32
    %mul3A_70 = vector.broadcast %mul3A_69 : i32 to vector<1x8192xi32>
    %mul3A_71 = arith.muli %slice3A_68, %mul3A_70 : vector<1x8192xi32>
    %add3A_72 = arith.addi %mul3A_67, %mul3A_71 : vector<1x8192xi32>
    %add3A_73 = arith.addi %add3A_63, %add3A_72 : vector<1x8192xi32>
    %get3A_74 = arith.constant 0 : index
    %get3A_75 = arith.constant 0 : index
    %get3A_76 = vector.load %arg4[%get3A_74, %get3A_75] : memref<1x8192xi32, #tpu.memory_space<vmem>>, vector<1x8192xi32>
    %lt3A = arith.constant 27 : i32
    %lt3A_77 = vector.broadcast %lt3A : i32 to vector<1x8192xi32>
    %lt3A_78 = arith.cmpi slt, %get3A_76, %lt3A_77 : vector<1x8192xi32>
    %jit3A = arith.constant 16777215 : i32
    %broadcast_in_dim3A_79 = vector.broadcast %jit3A : i32 to vector<1x8192xi32>
    %select_n3A_80 = arith.select %lt3A_78, %add3A_73, %broadcast_in_dim3A_79 : vector<1x8192xi1>, vector<1x8192xi32>
    %swap3A = arith.constant 0 : index
    %swap3A_81 = arith.constant 0 : index
    %swap3A_82 = vector.load %arg5[%swap3A, %swap3A_81] : memref<1x8192xi32, #tpu.memory_space<vmem>>, vector<1x8192xi32>
    tpu.vector_store %arg5[%swap3A, %swap3A_81], %select_n3A_80 {strides = array<i32>} : memref<1x8192xi32, #tpu.memory_space<vmem>>, vector<1x8192xi32>,
    return
  }
  func.func @transform_0(%arg0: i32) -> (i32, i32) {
    %c0_i32 = arith.constant 0 : i32
    %c0_i32_0 = arith.constant 0 : i32
    return %c0_i32, %arg0 : i32, i32
  }
  func.func @transform_1(%arg0: i32) -> (i32, i32) {
    %c0_i32 = arith.constant 0 : i32
    %c0_i32_0 = arith.constant 0 : i32
    return %c0_i32, %arg0 : i32, i32
  }
  func.func @transform_2(%arg0: i32) -> (i32, i32) {
    %c0_i32 = arith.constant 0 : i32
    %c0_i32_0 = arith.constant 0 : i32
    %c0_i32_1 = arith.constant 0 : i32
    return %c0_i32, %c0_i32_0 : i32, i32
  }
  func.func @transform_3(%arg0: i32) -> (i32, i32) {
    %c0_i32 = arith.constant 0 : i32
    %c0_i32_0 = arith.constant 0 : i32
    %c0_i32_1 = arith.constant 0 : i32
    return %c0_i32, %c0_i32_0 : i32, i32
  }
  func.func @transform_4(%arg0: i32) -> (i32, i32) {
    %c0_i32 = arith.constant 0 : i32
    %c0_i32_0 = arith.constant 0 : i32
    return %c0_i32, %arg0 : i32, i32
  }
}

module attributes {stable_mosaic.version = 14 : i64} {
  func.func @_main_body(%arg0: i32, %arg1: memref<3x8192xf32, #tpu.memory_space<vmem>>, %arg2: memref<3x8192xf32, #tpu.memory_space<vmem>>, %arg3: memref<1x8192xf32, #tpu.memory_space<vmem>>, %arg4: memref<1x8192xf32, #tpu.memory_space<vmem>>, %arg5: memref<1x8192xf32, #tpu.memory_space<vmem>>, %arg6: memref<1x8192xi32, #tpu.memory_space<vmem>>, %arg7: memref<8192x256xf32, #tpu.memory_space<vmem>>, %arg8: memref<64x3xf32, #tpu.memory_space<vmem>>, %arg9: memref<64x1xf32, #tpu.memory_space<vmem>>, %arg10: memref<64x64xf32, #tpu.memory_space<vmem>>, %arg11: memref<64x1xf32, #tpu.memory_space<vmem>>, %arg12: memref<1x64xf32, #tpu.memory_space<vmem>>, %arg13: memref<1x1xf32, #tpu.memory_space<vmem>>, %arg14: memref<64x64xf32, #tpu.memory_space<vmem>>, %arg15: memref<64x3xf32, #tpu.memory_space<vmem>>, %arg16: memref<64x1xf32, #tpu.memory_space<vmem>>, %arg17: memref<3x64xf32, #tpu.memory_space<vmem>>, %arg18: memref<3x1xf32, #tpu.memory_space<vmem>>, %arg19: memref<3x256xf32, #tpu.memory_space<vmem>>) attributes {dimension_semantics = [#tpu.dimension_semantics<arbitrary>], iteration_bounds = array<i64: 32>, scalar_prefetch = 0 : i64, scratch_operands = 0 : i64, tpu.core_type = #tpu.core_type<tc>, window_params = [{transform_indices = @transform_0, window_bounds = array<i64: 3, 8192>}, {transform_indices = @transform_1, window_bounds = array<i64: 3, 8192>}, {transform_indices = @transform_2, window_bounds = array<i64: 1, 8192>}, {pipeline_mode = #tpu.pipeline_mode<synchronous>, transform_indices = @transform_3, window_bounds = array<i64: 1, 8192>}, {pipeline_mode = #tpu.pipeline_mode<synchronous>, transform_indices = @transform_4, window_bounds = array<i64: 1, 8192>}, {pipeline_mode = #tpu.pipeline_mode<synchronous>, transform_indices = @transform_5, window_bounds = array<i64: 1, 8192>}, {pipeline_mode = #tpu.pipeline_mode<synchronous>, transform_indices = @transform_6, window_bounds = array<i64: 8192, 256>}, {pipeline_mode = #tpu.pipeline_mode<synchronous>, transform_indices = @transform_7, window_bounds = array<i64: 64, 3>}, {pipeline_mode = #tpu.pipeline_mode<synchronous>, transform_indices = @transform_8, window_bounds = array<i64: 64, 1>}, {pipeline_mode = #tpu.pipeline_mode<synchronous>, transform_indices = @transform_9, window_bounds = array<i64: 64, 64>}, {pipeline_mode = #tpu.pipeline_mode<synchronous>, transform_indices = @transform_10, window_bounds = array<i64: 64, 1>}, {pipeline_mode = #tpu.pipeline_mode<synchronous>, transform_indices = @transform_11, window_bounds = array<i64: 1, 64>}, {pipeline_mode = #tpu.pipeline_mode<synchronous>, transform_indices = @transform_12, window_bounds = array<i64: 1, 1>}, {pipeline_mode = #tpu.pipeline_mode<synchronous>, transform_indices = @transform_13, window_bounds = array<i64: 64, 64>}, {pipeline_mode = #tpu.pipeline_mode<synchronous>, transform_indices = @transform_14, window_bounds = array<i64: 64, 3>}, {pipeline_mode = #tpu.pipeline_mode<synchronous>, transform_indices = @transform_15, window_bounds = array<i64: 64, 1>}, {pipeline_mode = #tpu.pipeline_mode<synchronous>, transform_indices = @transform_16, window_bounds = array<i64: 3, 64>}, {pipeline_mode = #tpu.pipeline_mode<synchronous>, transform_indices = @transform_17, window_bounds = array<i64: 3, 1>}, {transform_indices = @transform_18, window_bounds = array<i64: 3, 256>}]} {
    %get3A = arith.constant 0 : index
    %get3A_0 = arith.constant 0 : index
    %get3A_1 = vector.load %arg2[%get3A, %get3A_0] : memref<3x8192xf32, #tpu.memory_space<vmem>>, vector<3x8192xf32>
    %get3A_2 = arith.constant 0 : index
    %get3A_3 = arith.constant 0 : index
    %get3A_4 = vector.load %arg1[%get3A_2, %get3A_3] : memref<3x8192xf32, #tpu.memory_space<vmem>>, vector<3x8192xf32>
    %get3A_5 = arith.constant 0 : index
    %get3A_6 = arith.constant 0 : index
    %get3A_7 = vector.load %arg4[%get3A_5, %get3A_6] : memref<1x8192xf32, #tpu.memory_space<vmem>>, vector<1x8192xf32>
    %mul3A = vector.broadcast %get3A_7 : vector<1x8192xf32> to vector<3x8192xf32>
    %mul3A_8 = arith.mulf %get3A_1, %mul3A : vector<3x8192xf32>
    %add3A = arith.addf %get3A_4, %mul3A_8 : vector<3x8192xf32>
    %abs3A = math.absf %add3A : vector<3x8192xf32>
    %reduce_max3A = arith.constant dense<0xFF800000> : vector<8192xf32>
    %reduce_max3A_9 = vector.multi_reduction <maximumf>, %abs3A, %reduce_max3A [0] : vector<3x8192xf32> to vector<8192xf32>
    %broadcast_in_dim3A = vector.shape_cast %reduce_max3A_9 : vector<8192xf32> to vector<1x8192xf32>
    %max3A = arith.constant 9.99999996E-13 : f32
    %max3A_10 = vector.broadcast %max3A : f32 to vector<1x8192xf32>
    %max3A_11 = arith.maximumf %broadcast_in_dim3A, %max3A_10 : vector<1x8192xf32>
    %le3A = arith.constant 1.000000e+00 : f32
    %le3A_12 = vector.broadcast %le3A : f32 to vector<1x8192xf32>
    %le3A_13 = arith.cmpf ole, %broadcast_in_dim3A, %le3A_12 : vector<1x8192xf32>
    %div3A = arith.constant 1.000000e+00 : f32
    %div3A_14 = vector.broadcast %div3A : f32 to vector<1x8192xf32>
    %div3A_15 = arith.divf %div3A_14, %max3A_11 : vector<1x8192xf32>
    %sub3A = arith.constant 2.000000e+00 : f32
    %sub3A_16 = vector.broadcast %sub3A : f32 to vector<1x8192xf32>
    %sub3A_17 = arith.subf %sub3A_16, %div3A_15 : vector<1x8192xf32>
    %mul3A_18 = vector.broadcast %sub3A_17 : vector<1x8192xf32> to vector<3x8192xf32>
    %mul3A_19 = arith.mulf %mul3A_18, %add3A : vector<3x8192xf32>
    %div3A_20 = vector.broadcast %max3A_11 : vector<1x8192xf32> to vector<3x8192xf32>
    %div3A_21 = arith.divf %mul3A_19, %div3A_20 : vector<3x8192xf32>
    %broadcast_in_dim3A_22 = vector.shape_cast %le3A_13 : vector<1x8192xi1> to vector<1x8192xi1>
    %broadcast_in_dim3A_23 = vector.broadcast %broadcast_in_dim3A_22 : vector<1x8192xi1> to vector<3x8192xi1>
    %select_n3A = arith.select %broadcast_in_dim3A_23, %add3A, %div3A_21 : vector<3x8192xi1>, vector<3x8192xf32>
    %div3A_24 = arith.constant 2.000000e+00 : f32
    %div3A_25 = vector.broadcast %div3A_24 : f32 to vector<3x8192xf32>
    %div3A_26 = arith.divf %select_n3A, %div3A_25 : vector<3x8192xf32>
    %get3A_27 = arith.constant 0 : index
    %get3A_28 = arith.constant 0 : index
    %get3A_29 = vector.load %arg3[%get3A_27, %get3A_28] : memref<1x8192xf32, #tpu.memory_space<vmem>>, vector<1x8192xf32>
    %get3A_30 = arith.constant 0 : index
    %get3A_31 = arith.constant 0 : index
    %get3A_32 = vector.load %arg8[%get3A_30, %get3A_31] : memref<64x3xf32, #tpu.memory_space<vmem>>, vector<64x3xf32>
    %dot_general3A = arith.constant dense<0.000000e+00> : vector<64x8192xf32>
    %dot_general3A_33 = tpu.matmul %get3A_32, %div3A_26, %dot_general3A {dimension_numbers = #tpu.dot_dimension_numbers<[1], [0], [0], [1], [0, 0, 1, 1], [], []>, transpose_lhs_hint = false} : vector<64x3xf32>, vector<3x8192xf32>, vector<64x8192xf32> -> vector<64x8192xf32>
    %get3A_34 = arith.constant 0 : index
    %get3A_35 = arith.constant 0 : index
    %get3A_36 = vector.load %arg9[%get3A_34, %get3A_35] : memref<64x1xf32, #tpu.memory_space<vmem>>, vector<64x1xf32>
    %add3A_37 = vector.broadcast %get3A_36 : vector<64x1xf32> to vector<64x8192xf32>
    %add3A_38 = arith.addf %dot_general3A_33, %add3A_37 : vector<64x8192xf32>
    %max3A_39 = arith.constant 0.000000e+00 : f32
    %max3A_40 = vector.broadcast %max3A_39 : f32 to vector<64x8192xf32>
    %max3A_41 = arith.maximumf %add3A_38, %max3A_40 : vector<64x8192xf32>
    %get3A_42 = arith.constant 0 : index
    %get3A_43 = arith.constant 0 : index
    %get3A_44 = vector.load %arg10[%get3A_42, %get3A_43] : memref<64x64xf32, #tpu.memory_space<vmem>>, vector<64x64xf32>
    %dot_general3A_45 = arith.constant dense<0.000000e+00> : vector<64x8192xf32>
    %dot_general3A_46 = tpu.matmul %get3A_44, %max3A_41, %dot_general3A_45 {dimension_numbers = #tpu.dot_dimension_numbers<[1], [0], [0], [1], [0, 0, 1, 1], [], []>, transpose_lhs_hint = false} : vector<64x64xf32>, vector<64x8192xf32>, vector<64x8192xf32> -> vector<64x8192xf32>
    %get3A_47 = arith.constant 0 : index
    %get3A_48 = arith.constant 0 : index
    %get3A_49 = vector.load %arg11[%get3A_47, %get3A_48] : memref<64x1xf32, #tpu.memory_space<vmem>>, vector<64x1xf32>
    %add3A_50 = vector.broadcast %get3A_49 : vector<64x1xf32> to vector<64x8192xf32>
    %add3A_51 = arith.addf %dot_general3A_46, %add3A_50 : vector<64x8192xf32>
    %mul3A_52 = vector.broadcast %get3A_29 : vector<1x8192xf32> to vector<64x8192xf32>
    %mul3A_53 = arith.mulf %add3A_51, %mul3A_52 : vector<64x8192xf32>
    %get3A_54 = arith.constant 0 : index
    %get3A_55 = arith.constant 0 : index
    %get3A_56 = vector.load %arg12[%get3A_54, %get3A_55] : memref<1x64xf32, #tpu.memory_space<vmem>>, vector<1x64xf32>
    %dot_general3A_57 = arith.constant dense<0.000000e+00> : vector<1x8192xf32>
    %dot_general3A_58 = tpu.matmul %get3A_56, %mul3A_53, %dot_general3A_57 {dimension_numbers = #tpu.dot_dimension_numbers<[1], [0], [0], [1], [0, 0, 1, 1], [], []>, transpose_lhs_hint = false} : vector<1x64xf32>, vector<64x8192xf32>, vector<1x8192xf32> -> vector<1x8192xf32>
    %get3A_59 = arith.constant 0 : index
    %get3A_60 = arith.constant 0 : index
    %get3A_61 = vector.load %arg13[%get3A_59, %get3A_60] : memref<1x1xf32, #tpu.memory_space<vmem>>, vector<1x1xf32>
    %add3A_62 = vector.broadcast %get3A_61 : vector<1x1xf32> to vector<1x8192xf32>
    %add3A_63 = arith.addf %dot_general3A_58, %add3A_62 : vector<1x8192xf32>
    %custom_jvp_call3A = arith.constant 0.000000e+00 : f32
    %max3A_64 = vector.broadcast %custom_jvp_call3A : f32 to vector<1x8192xf32>
    %max3A_65 = arith.maximumf %add3A_63, %max3A_64 : vector<1x8192xf32>
    %sub3A_66 = vector.broadcast %custom_jvp_call3A : f32 to vector<1x8192xf32>
    %sub3A_67 = arith.subf %add3A_63, %sub3A_66 : vector<1x8192xf32>
    %ne3A = arith.cmpf one, %sub3A_67, %sub3A_67 : vector<1x8192xf32>
    %add3A_68 = vector.broadcast %custom_jvp_call3A : f32 to vector<1x8192xf32>
    %add3A_69 = arith.addf %add3A_63, %add3A_68 : vector<1x8192xf32>
    %abs3A_70 = math.absf %sub3A_67 : vector<1x8192xf32>
    %neg3A = arith.constant 0.000000e+00 : f32
    %neg3A_71 = vector.broadcast %neg3A : f32 to vector<1x8192xf32>
    %neg3A_72 = arith.subf %neg3A_71, %abs3A_70 : vector<1x8192xf32>
    %exp3A = math.exp %neg3A_72 : vector<1x8192xf32>
    %log1p3A = math.log1p %exp3A : vector<1x8192xf32>
    %add3A_73 = arith.addf %max3A_65, %log1p3A : vector<1x8192xf32>
    %select_n3A_74 = arith.select %ne3A, %add3A_69, %add3A_73 : vector<1x8192xi1>, vector<1x8192xf32>
    %mul3A_75 = arith.mulf %select_n3A_74, %get3A_29 : vector<1x8192xf32>
    %neg3A_76 = arith.constant 0.000000e+00 : f32
    %neg3A_77 = vector.broadcast %neg3A_76 : f32 to vector<1x8192xf32>
    %neg3A_78 = arith.subf %neg3A_77, %mul3A_75 : vector<1x8192xf32>
    %get3A_79 = arith.constant 0 : index
    %get3A_80 = arith.constant 0 : index
    %get3A_81 = vector.load %arg5[%get3A_79, %get3A_80] : memref<1x8192xf32, #tpu.memory_space<vmem>>, vector<1x8192xf32>
    %mul3A_82 = arith.mulf %neg3A_78, %get3A_81 : vector<1x8192xf32>
    %get3A_83 = arith.constant 0 : index
    %get3A_84 = arith.constant 0 : index
    %get3A_85 = vector.load %arg6[%get3A_83, %get3A_84] : memref<1x8192xi32, #tpu.memory_space<vmem>>, vector<1x8192xi32>
    %ge3A = arith.constant 1 : i32
    %ge3A_86 = vector.broadcast %ge3A : i32 to vector<1x8192xi32>
    %ge3A_87 = arith.cmpi sge, %get3A_85, %ge3A_86 : vector<1x8192xi32>
    %roll3A = arith.constant 1 : i32
    %roll3A_88 = tpu.dynamic_rotate %mul3A_82 by %roll3A dim 1 : vector<1x8192xf32>, i32 -> vector<1x8192xf32>
    %jit3A = arith.constant 0.000000e+00 : f32
    %broadcast_in_dim3A_89 = vector.broadcast %jit3A : f32 to vector<1x8192xf32>
    %select_n3A_90 = arith.select %ge3A_87, %roll3A_88, %broadcast_in_dim3A_89 : vector<1x8192xi1>, vector<1x8192xf32>
    %add3A_91 = arith.addf %mul3A_82, %select_n3A_90 : vector<1x8192xf32>
    %ge3A_92 = arith.constant 2 : i32
    %ge3A_93 = vector.broadcast %ge3A_92 : i32 to vector<1x8192xi32>
    %ge3A_94 = arith.cmpi sge, %get3A_85, %ge3A_93 : vector<1x8192xi32>
    %roll3A_95 = arith.constant 2 : i32
    %roll3A_96 = tpu.dynamic_rotate %add3A_91 by %roll3A_95 dim 1 : vector<1x8192xf32>, i32 -> vector<1x8192xf32>
    %jit3A_97 = arith.constant 0.000000e+00 : f32
    %broadcast_in_dim3A_98 = vector.broadcast %jit3A_97 : f32 to vector<1x8192xf32>
    %select_n3A_99 = arith.select %ge3A_94, %roll3A_96, %broadcast_in_dim3A_98 : vector<1x8192xi1>, vector<1x8192xf32>
    %add3A_100 = arith.addf %add3A_91, %select_n3A_99 : vector<1x8192xf32>
    %ge3A_101 = arith.constant 4 : i32
    %ge3A_102 = vector.broadcast %ge3A_101 : i32 to vector<1x8192xi32>
    %ge3A_103 = arith.cmpi sge, %get3A_85, %ge3A_102 : vector<1x8192xi32>
    %roll3A_104 = arith.constant 4 : i32
    %roll3A_105 = tpu.dynamic_rotate %add3A_100 by %roll3A_104 dim 1 : vector<1x8192xf32>, i32 -> vector<1x8192xf32>
    %jit3A_106 = arith.constant 0.000000e+00 : f32
    %broadcast_in_dim3A_107 = vector.broadcast %jit3A_106 : f32 to vector<1x8192xf32>
    %select_n3A_108 = arith.select %ge3A_103, %roll3A_105, %broadcast_in_dim3A_107 : vector<1x8192xi1>, vector<1x8192xf32>
    %add3A_109 = arith.addf %add3A_100, %select_n3A_108 : vector<1x8192xf32>
    %ge3A_110 = arith.constant 8 : i32
    %ge3A_111 = vector.broadcast %ge3A_110 : i32 to vector<1x8192xi32>
    %ge3A_112 = arith.cmpi sge, %get3A_85, %ge3A_111 : vector<1x8192xi32>
    %roll3A_113 = arith.constant 8 : i32
    %roll3A_114 = tpu.dynamic_rotate %add3A_109 by %roll3A_113 dim 1 : vector<1x8192xf32>, i32 -> vector<1x8192xf32>
    %jit3A_115 = arith.constant 0.000000e+00 : f32
    %broadcast_in_dim3A_116 = vector.broadcast %jit3A_115 : f32 to vector<1x8192xf32>
    %select_n3A_117 = arith.select %ge3A_112, %roll3A_114, %broadcast_in_dim3A_116 : vector<1x8192xi1>, vector<1x8192xf32>
    %add3A_118 = arith.addf %add3A_109, %select_n3A_117 : vector<1x8192xf32>
    %ge3A_119 = arith.constant 16 : i32
    %ge3A_120 = vector.broadcast %ge3A_119 : i32 to vector<1x8192xi32>
    %ge3A_121 = arith.cmpi sge, %get3A_85, %ge3A_120 : vector<1x8192xi32>
    %roll3A_122 = arith.constant 16 : i32
    %roll3A_123 = tpu.dynamic_rotate %add3A_118 by %roll3A_122 dim 1 : vector<1x8192xf32>, i32 -> vector<1x8192xf32>
    %jit3A_124 = arith.constant 0.000000e+00 : f32
    %broadcast_in_dim3A_125 = vector.broadcast %jit3A_124 : f32 to vector<1x8192xf32>
    %select_n3A_126 = arith.select %ge3A_121, %roll3A_123, %broadcast_in_dim3A_125 : vector<1x8192xi1>, vector<1x8192xf32>
    %add3A_127 = arith.addf %add3A_118, %select_n3A_126 : vector<1x8192xf32>
    %sub3A_128 = arith.subf %add3A_127, %mul3A_82 : vector<1x8192xf32>
    %exp3A_129 = math.exp %sub3A_128 : vector<1x8192xf32>
    %exp3A_130 = math.exp %mul3A_82 : vector<1x8192xf32>
    %sub3A_131 = arith.constant 1.000000e+00 : f32
    %sub3A_132 = vector.broadcast %sub3A_131 : f32 to vector<1x8192xf32>
    %sub3A_133 = arith.subf %sub3A_132, %exp3A_130 : vector<1x8192xf32>
    %mul3A_134 = arith.mulf %exp3A_129, %sub3A_133 : vector<1x8192xf32>
    %gt3A = arith.constant 0.000000e+00 : f32
    %gt3A_135 = vector.broadcast %gt3A : f32 to vector<1x8192xf32>
    %gt3A_136 = arith.cmpf ogt, %get3A_29, %gt3A_135 : vector<1x8192xf32>
    %gt3A_137 = arith.constant 9.99999974E-5 : f32
    %gt3A_138 = vector.broadcast %gt3A_137 : f32 to vector<1x8192xf32>
    %gt3A_139 = arith.cmpf ogt, %mul3A_134, %gt3A_138 : vector<1x8192xf32>
    %and3A = arith.andi %gt3A_136, %gt3A_139 : vector<1x8192xi1>
    %jit3A_140 = arith.constant 0.000000e+00 : f32
    %broadcast_in_dim3A_141 = vector.broadcast %jit3A_140 : f32 to vector<1x8192xf32>
    %select_n3A_142 = arith.select %and3A, %mul3A_134, %broadcast_in_dim3A_141 : vector<1x8192xi1>, vector<1x8192xf32>
    %get3A_143 = arith.constant 0 : index
    %get3A_144 = arith.constant 0 : index
    %get3A_145 = vector.load %arg14[%get3A_143, %get3A_144] : memref<64x64xf32, #tpu.memory_space<vmem>>, vector<64x64xf32>
    %dot_general3A_146 = arith.constant dense<0.000000e+00> : vector<64x8192xf32>
    %dot_general3A_147 = tpu.matmul %get3A_145, %mul3A_53, %dot_general3A_146 {dimension_numbers = #tpu.dot_dimension_numbers<[1], [0], [0], [1], [0, 0, 1, 1], [], []>, transpose_lhs_hint = false} : vector<64x64xf32>, vector<64x8192xf32>, vector<64x8192xf32> -> vector<64x8192xf32>
    %get3A_148 = arith.constant 0 : index
    %get3A_149 = arith.constant 0 : index
    %get3A_150 = vector.load %arg15[%get3A_148, %get3A_149] : memref<64x3xf32, #tpu.memory_space<vmem>>, vector<64x3xf32>
    %dot_general3A_151 = arith.constant dense<0.000000e+00> : vector<64x8192xf32>
    %dot_general3A_152 = tpu.matmul %get3A_150, %get3A_1, %dot_general3A_151 {dimension_numbers = #tpu.dot_dimension_numbers<[1], [0], [0], [1], [0, 0, 1, 1], [], []>, transpose_lhs_hint = false} : vector<64x3xf32>, vector<3x8192xf32>, vector<64x8192xf32> -> vector<64x8192xf32>
    %add3A_153 = arith.addf %dot_general3A_147, %dot_general3A_152 : vector<64x8192xf32>
    %get3A_154 = arith.constant 0 : index
    %get3A_155 = arith.constant 0 : index
    %get3A_156 = vector.load %arg16[%get3A_154, %get3A_155] : memref<64x1xf32, #tpu.memory_space<vmem>>, vector<64x1xf32>
    %add3A_157 = vector.broadcast %get3A_156 : vector<64x1xf32> to vector<64x8192xf32>
    %add3A_158 = arith.addf %add3A_153, %add3A_157 : vector<64x8192xf32>
    %max3A_159 = arith.constant 0.000000e+00 : f32
    %max3A_160 = vector.broadcast %max3A_159 : f32 to vector<64x8192xf32>
    %max3A_161 = arith.maximumf %add3A_158, %max3A_160 : vector<64x8192xf32>
    %get3A_162 = arith.constant 0 : index
    %get3A_163 = arith.constant 0 : index
    %get3A_164 = vector.load %arg17[%get3A_162, %get3A_163] : memref<3x64xf32, #tpu.memory_space<vmem>>, vector<3x64xf32>
    %dot_general3A_165 = arith.constant dense<0.000000e+00> : vector<3x8192xf32>
    %dot_general3A_166 = tpu.matmul %get3A_164, %max3A_161, %dot_general3A_165 {dimension_numbers = #tpu.dot_dimension_numbers<[1], [0], [0], [1], [0, 0, 1, 1], [], []>, transpose_lhs_hint = false} : vector<3x64xf32>, vector<64x8192xf32>, vector<3x8192xf32> -> vector<3x8192xf32>
    %get3A_167 = arith.constant 0 : index
    %get3A_168 = arith.constant 0 : index
    %get3A_169 = vector.load %arg18[%get3A_167, %get3A_168] : memref<3x1xf32, #tpu.memory_space<vmem>>, vector<3x1xf32>
    %add3A_170 = vector.broadcast %get3A_169 : vector<3x1xf32> to vector<3x8192xf32>
    %add3A_171 = arith.addf %dot_general3A_166, %add3A_170 : vector<3x8192xf32>
    %logistic3A = arith.negf %add3A_171 : vector<3x8192xf32>
    %logistic3A_172 = math.exp %logistic3A : vector<3x8192xf32>
    %logistic3A_173 = arith.constant 1.000000e+00 : f32
    %logistic3A_174 = vector.broadcast %logistic3A_173 : f32 to vector<3x8192xf32>
    %logistic3A_175 = arith.addf %logistic3A_174, %logistic3A_172 : vector<3x8192xf32>
    %logistic3A_176 = arith.divf %logistic3A_174, %logistic3A_175 : vector<3x8192xf32>
    %mul3A_177 = vector.broadcast %select_n3A_142 : vector<1x8192xf32> to vector<3x8192xf32>
    %mul3A_178 = arith.mulf %logistic3A_176, %mul3A_177 : vector<3x8192xf32>
    %get3A_179 = arith.constant 0 : index
    %get3A_180 = arith.constant 0 : index
    %get3A_181 = vector.load %arg7[%get3A_179, %get3A_180] : memref<8192x256xf32, #tpu.memory_space<vmem>>, vector<8192x256xf32>
    %dot_general3A_182 = arith.constant dense<0.000000e+00> : vector<3x256xf32>
    %dot_general3A_183 = tpu.matmul %mul3A_178, %get3A_181, %dot_general3A_182 {dimension_numbers = #tpu.dot_dimension_numbers<[1], [0], [0], [1], [0, 0, 1, 1], [], []>, transpose_lhs_hint = false} : vector<3x8192xf32>, vector<8192x256xf32>, vector<3x256xf32> -> vector<3x256xf32>
    %swap3A = arith.constant 0 : index
    %swap3A_184 = arith.constant 0 : index
    %swap3A_185 = vector.load %arg19[%swap3A, %swap3A_184] : memref<3x256xf32, #tpu.memory_space<vmem>>, vector<3x256xf32>
    tpu.vector_store %arg19[%swap3A, %swap3A_184], %dot_general3A_183 {strides = array<i32>} : memref<3x256xf32, #tpu.memory_space<vmem>>, vector<3x256xf32>,
    return
  }
  func.func @transform_0(%arg0: i32) -> (i32, i32) {
    %c0_i32 = arith.constant 0 : i32
    %c0_i32_0 = arith.constant 0 : i32
    return %c0_i32, %arg0 : i32, i32
  }
  func.func @transform_1(%arg0: i32) -> (i32, i32) {
    %c0_i32 = arith.constant 0 : i32
    %c0_i32_0 = arith.constant 0 : i32
    return %c0_i32, %arg0 : i32, i32
  }
  func.func @transform_2(%arg0: i32) -> (i32, i32) {
    %c0_i32 = arith.constant 0 : i32
    %c0_i32_0 = arith.constant 0 : i32
    return %c0_i32, %arg0 : i32, i32
  }
  func.func @transform_3(%arg0: i32) -> (i32, i32) {
    %c0_i32 = arith.constant 0 : i32
    %c0_i32_0 = arith.constant 0 : i32
    %c0_i32_1 = arith.constant 0 : i32
    return %c0_i32, %c0_i32_0 : i32, i32
  }
  func.func @transform_4(%arg0: i32) -> (i32, i32) {
    %c0_i32 = arith.constant 0 : i32
    %c0_i32_0 = arith.constant 0 : i32
    %c0_i32_1 = arith.constant 0 : i32
    return %c0_i32, %c0_i32_0 : i32, i32
  }
  func.func @transform_5(%arg0: i32) -> (i32, i32) {
    %c0_i32 = arith.constant 0 : i32
    %c0_i32_0 = arith.constant 0 : i32
    %c0_i32_1 = arith.constant 0 : i32
    return %c0_i32, %c0_i32_0 : i32, i32
  }
  func.func @transform_6(%arg0: i32) -> (i32, i32) {
    %c0_i32 = arith.constant 0 : i32
    %c0_i32_0 = arith.constant 0 : i32
    %c0_i32_1 = arith.constant 0 : i32
    return %c0_i32, %c0_i32_0 : i32, i32
  }
  func.func @transform_7(%arg0: i32) -> (i32, i32) {
    %c0_i32 = arith.constant 0 : i32
    %c0_i32_0 = arith.constant 0 : i32
    %c0_i32_1 = arith.constant 0 : i32
    return %c0_i32, %c0_i32_0 : i32, i32
  }
  func.func @transform_8(%arg0: i32) -> (i32, i32) {
    %c0_i32 = arith.constant 0 : i32
    %c0_i32_0 = arith.constant 0 : i32
    %c0_i32_1 = arith.constant 0 : i32
    return %c0_i32, %c0_i32_0 : i32, i32
  }
  func.func @transform_9(%arg0: i32) -> (i32, i32) {
    %c0_i32 = arith.constant 0 : i32
    %c0_i32_0 = arith.constant 0 : i32
    %c0_i32_1 = arith.constant 0 : i32
    return %c0_i32, %c0_i32_0 : i32, i32
  }
  func.func @transform_10(%arg0: i32) -> (i32, i32) {
    %c0_i32 = arith.constant 0 : i32
    %c0_i32_0 = arith.constant 0 : i32
    %c0_i32_1 = arith.constant 0 : i32
    return %c0_i32, %c0_i32_0 : i32, i32
  }
  func.func @transform_11(%arg0: i32) -> (i32, i32) {
    %c0_i32 = arith.constant 0 : i32
    %c0_i32_0 = arith.constant 0 : i32
    %c0_i32_1 = arith.constant 0 : i32
    return %c0_i32, %c0_i32_0 : i32, i32
  }
  func.func @transform_12(%arg0: i32) -> (i32, i32) {
    %c0_i32 = arith.constant 0 : i32
    %c0_i32_0 = arith.constant 0 : i32
    %c0_i32_1 = arith.constant 0 : i32
    return %c0_i32, %c0_i32_0 : i32, i32
  }
  func.func @transform_13(%arg0: i32) -> (i32, i32) {
    %c0_i32 = arith.constant 0 : i32
    %c0_i32_0 = arith.constant 0 : i32
    %c0_i32_1 = arith.constant 0 : i32
    return %c0_i32, %c0_i32_0 : i32, i32
  }
  func.func @transform_14(%arg0: i32) -> (i32, i32) {
    %c0_i32 = arith.constant 0 : i32
    %c0_i32_0 = arith.constant 0 : i32
    %c0_i32_1 = arith.constant 0 : i32
    return %c0_i32, %c0_i32_0 : i32, i32
  }
  func.func @transform_15(%arg0: i32) -> (i32, i32) {
    %c0_i32 = arith.constant 0 : i32
    %c0_i32_0 = arith.constant 0 : i32
    %c0_i32_1 = arith.constant 0 : i32
    return %c0_i32, %c0_i32_0 : i32, i32
  }
  func.func @transform_16(%arg0: i32) -> (i32, i32) {
    %c0_i32 = arith.constant 0 : i32
    %c0_i32_0 = arith.constant 0 : i32
    %c0_i32_1 = arith.constant 0 : i32
    return %c0_i32, %c0_i32_0 : i32, i32
  }
  func.func @transform_17(%arg0: i32) -> (i32, i32) {
    %c0_i32 = arith.constant 0 : i32
    %c0_i32_0 = arith.constant 0 : i32
    %c0_i32_1 = arith.constant 0 : i32
    return %c0_i32, %c0_i32_0 : i32, i32
  }
  func.func @transform_18(%arg0: i32) -> (i32, i32) {
    %c0_i32 = arith.constant 0 : i32
    %c0_i32_0 = arith.constant 0 : i32
    return %c0_i32, %arg0 : i32, i32
  }
}

</mosaic_0001>

<sc_bundles>
// kernel: kernel.6.cloned.1.call-start
scs
__scs_entry_jumppad:
0x0: {  	(pc) =	sbr.rel $0x88, $3  }
0x1: {  	(tag) =	ssettag $0x0;
	lr =	simm.s32 $0x1  }
0x2: {  	[smem:$0x3F94] =	sst lr;
	_ =	strace $0xD0000000  }
0x3: {  	_ = 	snop  }
0x4: {  	_ = 	snop  }
0x5: {  	_ = 	snop  }
0x6: {  	_ = 	snop  }
0x7: {  	_ = 	snop  }
__scs_overlays_trampoline_lowered:
0x8: {  	[smem:$0x3FA3] =	sst s0  }
0x9: {  	[smem:$0x3FA4] =	sst s1  }
0xa: {  	[smem:$0x3FA5] =	sst s2  }
0xb: {  	[smem:$0x3FA6] =	sst s3  }
0xc: {  	[smem:$0x3FA7] =	sst s4  }
0xd: {  	[smem:$0x3FA8] =	sst s5  }
0xe: {  	[smem:$0x3FA9] =	sst s6  }
0xf: {  	[smem:$0x3FAA] =	sst s7  }
0x10: {  	[smem:$0x3FAB] =	sst s8  }
0x11: {  	[smem:$0x3FAC] =	sst s9;
	s0 =	simm.s32 @!p0 $0x0  }
0x12: {  	s1 =	sld [smem:$0x3F92];
	s0 =	simm.s32 @p0 $0x1  }
0x13: {  	[smem:$0x3FAD] =	sst s0;
	s0 =	simm.s32 @!p1 $0x0  }
0x14: {  	s2 =	sld [smem:$0x3F91];
	s0 =	simm.s32 @p1 $0x1  }
0x15: {  	[smem:$0x3FAE] =	sst s0;
	s0 =	simm.s32 @!p2 $0x0  }
0x16: {  	s3 =	sld [smem:$0x3FDB];
	s0 =	simm.s32 @p2 $0x1  }
0x17: {  	s4 =	simm.s32 $0x1BF5;
	[smem:$0x3FB0] =	sst s0  }
0x18: {  	s0 =	sld [smem:$0x3F93];
	_ =	swait.ge [sflag:s4], $0x0  }
0x19: {  	s7 =	sld [smem:$0x3F94]  }
0x1a: {  	s8 =	sadd.s32 $0xFFFFE003, lr  }
0x1b: {  	s9 =	sadd.s32 $0xFFFFFEF7, lr;
	s5 =	simm.s32 $0xFFFFFFFF;
	p2 =	slt.u32 s8, $0xFFFFF086  }
0x1c: {  	p1 =	slt.u32 s9, $0xF7A;
	s5 =	simm.s32 @!p2 $0x0  }
0x1d: {  	s5 =	simm.s32 @p1 $0x1;
	p0 =	seq.s32 s7, s2  }
0x1e: {  	s7 =	smul.u32 @!p0 $0xF7A, s2;
	p2 =	seq.s32 @!p0 s5, $0x0  }
0x1f: {  	s9 =	smul.u32 $0xF7A, s1;
	s8 =	simm.s32 @!p0 $0x1BF5;
	p2 =	por !p2, p0  }
0x20: {  	[sflag:s8] =	ssyncset.s32 @!p0 $0xFFFFF086;
	s6 =	sadd.s32 @!p0 s3, s7;
	s7 =	simm.s32 @!p0 $0x108  }
0x21: {  	s3 =	sadd.s32 s3, s9;
	s6 =	sadd.s32 @!p0 $0x88, s6;
	s7 =	simm.s32 @p2 $0x1082  }
0x22: {  	[simem:s7], [sflag:s8] =	dma.local @!p0 [hbm:s6], $0xF7A  }
0x23: {  	s9 =	sor.u32 $0xD0000000, s2;
	s6 =	simm.s32 $0x108;
	_ =	swait.ge @!p0 [sflag:s8], $0x0  }
0x24: {  	s3 =	sadd.s32 $0x88, s3;
	s6 =	simm.s32 @!p1 $0x1082;
	[sflag:s4] =	ssyncset.s32 $0xFFFFF086  }
0x25: {  	[simem:s6], [sflag:s4] =	dma.local [hbm:s3], $0xF7A  }
0x26: {  	[smem:$0x3F94] =	sst s1;
	(tag) =	ssettag s2;
	_ =	strace s9  }
0x27: {  	s1 =	sld [smem:$0x3FA4]  }
0x28: {  	s2 =	sld [smem:$0x3FA5]  }
0x29: {  	s4 =	sld [smem:$0x3FA7]  }
0x2a: {  	p0 =	seq.s32 s5, $0x0;
	s5 =	sld [smem:$0x3FA8]  }
0x2b: {  	s6 =	sld [smem:$0x3FA9]  }
0x2c: {  	s7 =	sld [smem:$0x3FAA]  }
0x2d: {  	s3 =	simm.s32 $0x108;
	s8 =	sld [smem:$0x3FAB]  }
0x2e: {  	s3 =	simm.s32 @!p0 $0x1082;
	s9 =	sld [smem:$0x3FAC]  }
0x2f: {  	lr =	sadd.s32 s0, s3;
	s0 =	sld [smem:$0x3FA3]  }
0x30: {  	s3 =	sld [smem:$0x3FA6]  }
0x31: {  	[smem:$0x3FAF] =	sst s10  }
0x32: {  	s10 =	sld [smem:$0x3FAD];
	_ =	sdelay $0x3  }
0x33: {  	p0 =	seq.s32 s10, $0x1;
	s10 =	sld [smem:$0x3FAF];
	_ =	sdelay $0x3  }
0x34: {  	[smem:$0x3FAF] =	sst s10  }
0x35: {  	s10 =	sld [smem:$0x3FAE];
	_ =	sdelay $0x3  }
0x36: {  	p1 =	seq.s32 s10, $0x1;
	s10 =	sld [smem:$0x3FAF];
	_ =	sdelay $0x3  }
0x37: {  	[smem:$0x3FAF] =	sst s10  }
0x38: {  	s10 =	sld [smem:$0x3FB0]  }
0x39: {  	_ = 	snop;
	(pc) =	sbr.ind lr, $3  }
0x3a: {  	_ = 	snop  }
0x3b: {  	_ = 	snop  }
0x3c: {  	p2 =	seq.s32 s10, $0x1;
	s10 =	sld [smem:$0x3FAF]  }
0x3d: {  	_ =	shalt  }
0x3e: {  	_ =	shalt  }
0x3f: {  	_ =	shalt  }
0x40: {  	_ =	shalt  }
0x41: {  	_ =	shalt  }
0x42: {  	_ =	shalt  }
0x43: {  	_ =	shalt  }
0x44: {  	_ =	shalt  }
0x45: {  	_ =	shalt  }
0x46: {  	_ =	shalt  }
0x47: {  	_ =	shalt  }
0x48: {  	_ =	shalt  }
0x49: {  	_ =	shalt  }
0x4a: {  	_ =	shalt  }
0x4b: {  	_ =	shalt  }
0x4c: {  	_ =	shalt  }
0x4d: {  	_ =	shalt  }
0x4e: {  	_ =	shalt  }
0x4f: {  	_ =	shalt  }
0x50: {  	_ =	shalt  }
0x51: {  	_ =	shalt  }
0x52: {  	_ =	shalt  }
0x53: {  	_ =	shalt  }
0x54: {  	_ =	shalt  }
0x55: {  	_ =	shalt  }
0x56: {  	_ =	shalt  }
0x57: {  	_ =	shalt  }
0x58: {  	_ =	shalt  }
0x59: {  	_ =	shalt  }
0x5a: {  	_ =	shalt  }
0x5b: {  	_ =	shalt  }
0x5c: {  	_ =	shalt  }
0x5d: {  	_ =	shalt  }
0x5e: {  	_ =	shalt  }
0x5f: {  	_ =	shalt  }
0x60: {  	_ =	shalt  }
0x61: {  	_ =	shalt  }
0x62: {  	_ =	shalt  }
0x63: {  	_ =	shalt  }
0x64: {  	_ =	shalt  }
0x65: {  	_ =	shalt  }
0x66: {  	_ =	shalt  }
0x67: {  	_ =	shalt  }
0x68: {  	_ =	shalt  }
0x69: {  	_ =	shalt  }
0x6a: {  	_ =	shalt  }
0x6b: {  	_ =	shalt  }
0x6c: {  	_ =	shalt  }
0x6d: {  	_ =	shalt  }
0x6e: {  	_ =	shalt  }
0x6f: {  	_ =	shalt  }
0x70: {  	_ =	shalt  }
0x71: {  	_ =	shalt  }
0x72: {  	_ =	shalt  }
0x73: {  	_ =	shalt  }
0x74: {  	_ =	shalt  }
0x75: {  	_ =	shalt  }
0x76: {  	_ =	shalt  }
0x77: {  	_ =	shalt  }
0x78: {  	_ =	shalt  }
0x79: {  	_ =	shalt  }
0x7a: {  	_ =	shalt  }
0x7b: {  	_ =	shalt  }
0x7c: {  	_ =	shalt  }
0x7d: {  	_ =	shalt  }
0x7e: {  	_ =	shalt  }
0x7f: {  	_ =	shalt  }
0x80: {  	_ =	shalt  }
0x81: {  	_ =	shalt  }
0x82: {  	_ =	shalt  }
0x83: {  	_ =	shalt  }
0x84: {  	_ =	shalt  }
0x85: {  	_ =	shalt  }
0x86: {  	_ =	shalt  }
0x87: {  	_ =	shalt  }
.Lfunc_end0:
.L_simem_size_0:
called_computation_lowered:
.L_overlay_start_0:
0x88: {  	s2 =	sld [smem:$0x3FD9]  }
0x89: {  	s3 =	sld [smem:$0x3FFE];
	_ =	sdelay $0x1  }
0x8a: {  	s1 =	srdreg.scid  }
0x8b: {  	s0 =	sand.u32 $0x1, s1  }
0x8c: {  	s16 =	sshll.u32 s0, $0xA;
	s2 =	sadd.s32 s3, s2  }
0x8d: {  	s2 =	sadd.s32 s2, s16  }
0x8e: {  	[smem:$0x3FBB] =	sst s2  }
0x8f: {  	_ = 	snop  }
0x90: {  	(tm) =	ssettm $0x1  }
0x91: {  	s17 =	sld [smem:$0x3FFB];
	_ =	sdelay $0x3  }
0x92: {  	_ =	strace s17  }
0x93: {  	s2 =	sld [smem:$0x3FFC];
	_ =	sdelay $0x3  }
0x94: {  	_ =	strace s2  }
0x95: {  	s2 =	sld [smem:$0x3FFD];
	_ =	sdelay $0x3  }
0x96: {  	_ =	strace s2  }
0x97: {  	_ =	strace $0x8FFFFFFF  }
0x98: {  	s18 =	sld [smem:$0x3FDB];
	_ =	sdelay $0x1  }
0x99: {  	s19 =	simm.s32 $_scs_section_size  }
0x9a: {  	s4 =	simm.s32 $_size__tile_overlayer_lowered;
	s5 =	simm.s32 $_tile_overlayer_lowered  }
0x9b: {  	s22 =	simm.s32 $0x1BFF;
	s21 =	sshll.u32 s5, $0x1;
	s2 =	sadd.s32 s19, s18  }
0x9c: {  	s6 =	simm.s32 $0x0;
	s20 =	sshll.u32 s4, $0x1;
	s4 =	sadd.s32 s21, s2  }
0x9d: {  	[timem:s6], [sflag:s22] =	dma.local [hbm:s4], s20  }
0x9e: {  	_ =	swait.ge [sflag:s22], s20  }
0x9f: {  	s3 =	ssub.s32 $0x0, s20;
	[sflag:s22] =	ssyncset.done $0x0  }
0xa0: {  	[sflag:s22] =	ssyncadd.s32 s3;
	_ =	sdelay $0x1  }
0xa1: {  	s23 =	simm.s32 $0x1B8B  }
0xa2: {  	_ =	swait.ge [sflag:s23], $0x1  }
0xa3: {  	[sflag:s23] =	ssyncset.done $0x0  }
0xa4: {  	s25 =	simm.s32 $0x1B8E;
	s24 =	sld [smem:$0x3FFE];
	[sflag:s23] =	ssyncadd.s32 $0xFFFFFFFF  }
0xa5: {  	s26 =	simm.s32 $execute0_lowered;
	[smem:$0x3FD2] =	sst s25  }
0xa6: {  	s4 =	sshll.u32 s26, $0x1;
	_ =	strace $0x80000046;
	[dreg:$0x1] =	wrdreg $0xFFFFFFFF  }
0xa7: {  	s28 =	simm.s32 $_size_execute0_lowered;
	s2 =	sadd.s32 s2, s4;
	[dreg:$0x0] =	wrdreg $0x0  }
0xa8: {  	s4 =	sshll.u32 s28, $0x1;
	[dreg:$0x2] =	wrdreg s2  }
0xa9: {  	[dreg:$0x3] =	wrdreg s4  }
0xaa: {  	[dreg:$0x4] =	wrdreg $0xC0  }
0xab: {  	_ =	task [dreg:s6], $0x5FFFF  }
0xac: {  	[dreg:$0x1] =	wrdreg $0xFFFFFFFF  }
0xad: {  	[dreg:$0x0] =	wrdreg $0x60  }
0xae: {  	[dreg:$0x2] =	wrdreg s24  }
0xaf: {  	[dreg:$0x3] =	wrdreg $0x9  }
0xb0: {  	_ =	task.clear_ibuf [dreg:s6], $0x4FFFF;
	_ =	strace $0x90000046  }
0xb1: {  	s29 =	simm.s32 $0x9;
	_ =	strace $0x80000048  }
0xb2: {  	_ =	swait.ge [sflag:s29], $0x1  }
0xb3: {  	[sflag:s29] =	ssyncadd.s32 $0xFFFFFFFF  }
0xb4: {  	_ =	strace $0x90000048  }
0xb5: {  	_ =	sfence  }
0xb6: {  	s30 =	sld [smem:$0x0];
	_ =	sdelay $0x2  }
0xb7: {  	s31 =	sshll.u32 s1, $0xD;
	s1 =	sshrl.u32 s1, $0x2  }
0xb8: {  	s3 =	sand.u32 $0x4000, s31;
	s1 =	sadd.s32 s1, s30  }
0xb9: {  	s0 =	sor.u32 s3, s0;
	s1 =	sshll.u32 s1, $0x11  }
0xba: {  	s0 =	sor.u32 s1, s0  }
0xbb: {  	s0 =	sadd.s32 $0x8F2B, s0  }
0xbc: {  	[sflag:s0] =	ssyncadd.remote.s32 $0x1  }
0xbd: {  	_ =	sfence.sel $0xFFFF  }
0xbe: {  	[dreg:$0x0] =	wrdreg $0xFFFFFFFF;
	(pc) =	sbr.abs _section_cstart, $3  }
0xbf: {  	[dreg:$0x1] =	wrdreg $0xFFFFFFFF  }
0xc0: {  	_ =	task.clear_ibuf [dreg:s6], $0x2FFFF;
	_ =	strace $0x9FFFFFFF  }
0xc1: {  	(tm) =	ssettm $0x7FFFFFFF  }
tec
execute0_lowered:
.L_overlay_start_1:
0x0: {  	(tag) =	ssettag $0x1  }
0x1: {  	s3 =	rddreg [dreg:$0x0];
	s2 =	srdreg.scid  }
0x2: {  	s0 =	rddreg [dreg:$0x1];
	s1 =	stileid.u32;
	s7 =	simm.s32 $0x1  }
0x3: {  	s8 =	simm.s32 $0x10000;
	s9 =	simm.s32 $0x12000;
	s10 =	simm.s32 $0x0  }
0x4: {  	s4 =	sand.u32 $0x1, s2;
	s2 =	simm.s32 $0x0;
	s5 =	sshll.u32 s1, $0xB  }
0x5: {  	s6 =	sshll.u32 s4, $0xA;
	[smem:$0x7FF] =	sst s2;
	s4 =	ssub.s32 $0x2, s4  }
0x6: {  	s5 =	sor.u32 s6, s5;
	_ =	strace $0x80000047;
	s31 =	sshrl.u32 s4, $0x1  }
0x7: {  	s5 =	sadd.s32 s5, s3;
	s3 =	sadd.s32 $0x3200, s3;
	s6 =	ssub.s32 s4, s31  }
0x8: {  	v0 =	vimm.f32 $0.0e+00;
	s4 =	sadd.s32 $0x5200, s5;
	s5 =	sadd.s32 $0xD200, s5;
	s6 =	smax.u32 s6, $0x1  }
.LBB2_1:
0x9: {  	[tilespmem:s2], [sflag:$0x1] =	stream.linear.gather [hbm4b:s3+s2], $0x10000, $0x38;
	[tilespmem:$0x14000] =	vst v63  }
0xa: {  	_ =	swait.ge [sflag:s7], $0x10000  }
0xb: {  	[sflag:s7] =	ssyncset.done $0x0  }
0xc: {  	[sflag:s7] =	ssyncadd.s32 $0xFFFF0000  }
0xd: {  	[tilespmem:s8], [sflag:$0x1] =	stream.linear.gather [hbm4b:s4+s2], $0x2000, $0x38;
	[tilespmem:$0x14000] =	vst v63  }
0xe: {  	_ =	swait.ge [sflag:s7], $0x2000  }
0xf: {  	[sflag:s7] =	ssyncset.done $0x0  }
0x10: {  	s11 =	simm.s32 $0x0;
	[sflag:s7] =	ssyncadd.s32 $0xFFFFE000  }
0x11: {  	v2 =	vld [tilespmem:s11+$0x10000];
	_ =	sdelay $0x4  }
0x12: {  	v4 =	vand.u32 $0x4000000, v2;
	v5 =	vand.u32 $0x1000000, v2  }
0x13: {  	v6 =	vand.u32 $0x2000000, v2;
	v8 =	vshrl.u32 v2, $0x10;
	v1 =	vand.u32 $0x1F, v2  }
0x14: {  	s12 =	simm.s32 $0x40;
	v3 =	vand.u32 $0xFF, v2;
	v7 =	vshrl.u32 v2, $0x8;
	v2 =	vand.u32 $0xFF, v8  }
.LBB2_2:
0x15: {  	p0 =	sne.s32 s12, $0x7FC0;
	v7 =	vand.u32 $0xFF, v7;
	vm3 =	vne.s32 v4, $0x0;
	v4 =	vshll.u32 v2, $0x7  }
0x16: {  	vm1 =	vne.s32 v5, $0x0;
	vm2 =	vne.s32 v6, $0x0;
	v5 =	vadd.s32 v7, v4  }
0x17: {  	v6 =	vadd.s32 $0xFFFFFFFF, v3;
	v8 =	vshrl.u32 v3, $0x5;
	v5 =	vshll.u32 v5, $0x2  }
0x18: {  	v9 =	vadd.s32 $0xFFFFFFFF, v7;
	v10 =	vshra.s32 v6, $0x5;
	v11 =	vadd.s32 v8, v5  }
0x19: {  	v12 =	vadd.s32 v9, v4;
	v5 =	vadd.s32 v10, v5;
	v11 =	vand.u32 $0xFFFF, v11  }
0x1a: {  	v4 =	vadd.s32 $0xFFFFFF80, v4;
	v12 =	vshll.u32 v12, $0x2;
	v5 =	vand.u32 $0xFFFF, v5  }
0x1b: {  	vm4 =	vlt.u32 v3, $0x80;
	v3 =	vadd.s32 v9, v4;
	v13 =	vadd.s32 v10, v12  }
0x1c: {  	v3 =	vshll.u32 v3, $0x2;
	v12 =	vadd.s32 v8, v12;
	v13 =	vand.u32 $0xFFFF, v13  }
0x1d: {  	vm5 =	vlt.u32 v2, $0x80;
	v14 =	vadd.s32 v10, v3;
	v12 =	vand.u32 $0xFFFF, v12  }
0x1e: {  	vm0 =	vlt.u32 v6, $0x80;
	v4 =	vadd.s32 v7, v4;
	v14 =	vand.u32 $0xFFFF, v14;
	v11 =	vld.idx.msk [tilespmem:v11+s2+$0x0], $0xffff  }
0x1f: {  	vm1 =	vmand vm1, vm4;
	v4 =	vshll.u32 v4, $0x2;
	v3 =	vadd.s32 v8, v3;
	v5 =	vld.idx.msk [tilespmem:v5+s2+$0x0], $0xffff  }
0x20: {  	vm6 =	vlt.u32 v7, $0x80;
	v7 =	vadd.s32 v10, v4;
	v3 =	vand.u32 $0xFFFF, v3  }
0x21: {  	v2 =	vadd.s32 $0xFFFFFFFF, v2;
	v4 =	vadd.s32 v8, v4;
	v7 =	vand.u32 $0xFFFF, v7;
	v8 =	vld.idx.msk [tilespmem:v13+s2+$0x0], $0xffff  }
0x22: {  	vm3 =	vmand vm3, vm5;
	v10 =	vand.u32 $0x1F, v6;
	v4 =	vand.u32 $0xFFFF, v4;
	v12 =	vld.idx.msk [tilespmem:v12+s2+$0x0], $0xffff  }
0x23: {  	vm4 =	vlt.u32 v9, $0x80;
	vm2 =	vmand vm2, vm6;
	v13 =	vld.idx.msk [tilespmem:v14+s2+$0x0], $0xffff;
	v14 =	vor.u32 v6, v9  }
0x24: {  	vm5 =	vlt.u32 v2, $0x80;
	v2 =	vor.u32 v2, v9;
	vm9 =	vlt.u32 v14, $0x80  }
0x25: {  	v6 =	vor.u32 v6, v2;
	v9 =	vshrl.u32 v11, v1;
	v5 =	vshrl.u32 v5, v10;
	v3 =	vld.idx.msk [tilespmem:v3+s2+$0x0], $0xffff  }
0x26: {  	vm8 =	vlt.u32 v2, $0x80;
	v5 =	vand.u32 $0x1, v5;
	v2 =	vld.idx.msk [tilespmem:v7+s2+$0x0], $0xffff;
	v7 =	vand.u32 $0x1, v9  }
0x27: {  	vm10 =	vlt.u32 v6, $0x80;
	vm6 =	veq.s32 v5, $0x1;
	v4 =	vld.idx.msk [tilespmem:v4+s2+$0x0], $0xffff;
	vm11 =	veq.s32 v7, $0x1  }
0x28: {  	v5 =	vshrl.u32 v8, v10;
	vm7 =	vmand vm3, vm6;
	vm6 =	vmand vm3, vm11  }
0x29: {  	v5 =	vand.u32 $0x1, v5;
	v7 =	vshrl.u32 v12, v1;
	v6 =	vshrl.u32 v13, v10  }
0x2a: {  	vm11 =	veq.s32 v5, $0x1;
	v5 =	vand.u32 $0x1, v7;
	v6 =	vand.u32 $0x1, v6  }
0x2b: {  	vm9 =	vmand vm9, vm11;
	vm11 =	veq.s32 v5, $0x1;
	vm12 =	veq.s32 v6, $0x1  }
0x2c: {  	v3 =	vshrl.u32 v3, v1;
	vm10 =	vmand vm10, vm12;
	v2 =	vshrl.u32 v2, v10  }
0x2d: {  	v3 =	vand.u32 $0x1, v3;
	v2 =	vand.u32 $0x1, v2;
	v1 =	vshrl.u32 v4, v1  }
0x2e: {  	vm12 =	veq.s32 v3, $0x1;
	vm13 =	veq.s32 v2, $0x1;
	v1 =	vand.u32 $0x1, v1  }
0x2f: {  	vm8 =	vmand vm8, vm12;
	vm12 =	vmand vm5, vm13;
	vm13 =	veq.s32 v1, $0x1  }
0x30: {  	s13 =	sshra.s32 s12, $0x2;
	vm8 =	vmand vm1, vm8;
	vm12 =	vmand vm2, vm12;
	vm5 =	vmand vm5, vm13  }
0x31: {  	vm8 =	vmor vm10, vm8;
	vm10 =	vmand vm0, vm12;
	vm5 =	vmand vm2, vm5;
	v2 =	vld [tilespmem:s13+$0x10000]  }
0x32: {  	vm4 =	vmand vm4, vm11;
	vm8 =	vmor vm8, vm10;
	vm5 =	vmand vm1, vm5  }
0x33: {  	vm5 =	vmor vm8, vm5;
	vm8 =	vmand vm3, vm9;
	vm3 =	vmand vm3, vm4  }
0x34: {  	vm4 =	vmor vm8, vm5;
	vm3 =	vmand vm1, vm3;
	vm5 =	vmand vm2, vm7  }
.Ltmp0:
0x35: {  	vm2 =	vmand vm2, vm6;
	vm3 =	vmor vm4, vm3;
	vm0 =	vmand vm0, vm5;
	(pc) =	sbr.rel @p0 .LBB2_2-.Ltmp0, $4  }
0x36: {  	vm1 =	vmand vm1, vm2;
	vm0 =	vmor vm3, vm0;
	v4 =	vand.u32 $0x4000000, v2  }
0x37: {  	v5 =	vand.u32 $0x1000000, v2;
	v6 =	vand.u32 $0x2000000, v2;
	vm0 =	vmor vm0, vm1  }
0x38: {  	v8 =	vshrl.u32 v2, $0x10;
	v1 =	vand.u32 $0x1F, v2;
	v9 =	vsel vm0, $0x3F800000, v0  }
0x39: {  	s12 =	sadd.s32 $0x40, s12;
	v3 =	vand.u32 $0xFF, v2;
	v7 =	vshrl.u32 v2, $0x8;
	v2 =	vand.u32 $0xFF, v8;
	[tilespmem:s11+$0x12000] =	vst v9;
	s11 =	smov.u32 s13  }
0x3a: {  	v7 =	vand.u32 $0xFF, v7;
	vm3 =	vne.s32 v4, $0x0  }
0x3b: {  	v50 =	vshll.u32 v2, $0x7;
	vm1 =	vne.s32 v5, $0x0;
	v52 =	vadd.s32 $0xFFFFFFFF, v3  }
0x3c: {  	v8 =	vshrl.u32 v3, $0x5;
	vm4 =	vlt.u32 v3, $0x80;
	v51 =	vadd.s32 v7, v50  }
0x3d: {  	v9 =	vadd.s32 $0xFFFFFFFF, v7;
	v10 =	vshra.s32 v52, $0x5;
	v5 =	vshll.u32 v51, $0x2  }
0x3e: {  	v4 =	vadd.s32 $0xFFFFFF80, v50;
	v12 =	vadd.s32 v9, v50;
	v11 =	vadd.s32 v8, v5  }
0x3f: {  	v5 =	vadd.s32 v10, v5;
	v12 =	vshll.u32 v12, $0x2;
	v11 =	vand.u32 $0xFFFF, v11  }
0x40: {  	v3 =	vadd.s32 v9, v4;
	v5 =	vand.u32 $0xFFFF, v5;
	v13 =	vadd.s32 v10, v12  }
0x41: {  	v3 =	vshll.u32 v3, $0x2;
	v12 =	vadd.s32 v8, v12;
	v13 =	vand.u32 $0xFFFF, v13  }
0x42: {  	v4 =	vadd.s32 v7, v4;
	v14 =	vadd.s32 v10, v3;
	v12 =	vand.u32 $0xFFFF, v12  }
0x43: {  	v4 =	vshll.u32 v4, $0x2;
	v3 =	vadd.s32 v8, v3;
	v14 =	vand.u32 $0xFFFF, v14  }
0x44: {  	v53 =	vadd.s32 v10, v4;
	v3 =	vand.u32 $0xFFFF, v3;
	v11 =	vld.idx.msk [tilespmem:v11+s2+$0x0], $0xffff  }
0x45: {  	vm6 =	vlt.u32 v7, $0x80;
	v7 =	vand.u32 $0xFFFF, v53;
	v5 =	vld.idx.msk [tilespmem:v5+s2+$0x0], $0xffff  }
0x46: {  	vm2 =	vne.s32 v6, $0x0;
	vm5 =	vlt.u32 v2, $0x80;
	v2 =	vadd.s32 $0xFFFFFFFF, v2;
	v54 =	vld.idx.msk [tilespmem:v13+s2+$0x0], $0xffff  }
0x47: {  	vm0 =	vlt.u32 v52, $0x80;
	vm1 =	vmand vm1, vm4;
	vm3 =	vmand vm3, vm5;
	v12 =	vld.idx.msk [tilespmem:v12+s2+$0x0], $0xffff  }
0x48: {  	v55 =	vand.u32 $0x1F, v52;
	vm5 =	vlt.u32 v2, $0x80;
	v4 =	vadd.s32 v8, v4;
	v14 =	vld.idx.msk [tilespmem:v14+s2+$0x0], $0xffff  }
0x49: {  	vm4 =	vlt.u32 v9, $0x80;
	v56 =	vor.u32 v52, v9;
	v4 =	vand.u32 $0xFFFF, v4;
	v3 =	vld.idx.msk [tilespmem:v3+s2+$0x0], $0xffff  }
0x4a: {  	vm2 =	vmand vm2, vm6;
	v2 =	vor.u32 v2, v9;
	vm8 =	vlt.u32 v56, $0x80;
	v7 =	vld.idx.msk [tilespmem:v7+s2+$0x0], $0xffff  }
0x4b: {  	v6 =	vor.u32 v52, v2;
	vm9 =	vlt.u32 v2, $0x80;
	v5 =	vshrl.u32 v5, v55  }
0x4c: {  	vm10 =	vlt.u32 v6, $0x80;
	v57 =	vshrl.u32 v11, v1;
	v2 =	vand.u32 $0x1, v5  }
0x4d: {  	v58 =	vand.u32 $0x1, v57;
	v59 =	vshrl.u32 v54, v55;
	v60 =	vshrl.u32 v14, v55  }
0x4e: {  	v61 =	vshrl.u32 v12, v1;
	v3 =	vshrl.u32 v3, v1;
	vm12 =	veq.s32 v2, $0x1;
	v2 =	vld.idx.msk [tilespmem:v4+s2+$0x0], $0xffff  }
0x4f: {  	v63 =	vshrl.u32 v7, v55;
	vm11 =	veq.s32 v58, $0x1;
	v4 =	vand.u32 $0x1, v59  }
0x50: {  	v5 =	vand.u32 $0x1, v60;
	v62 =	vand.u32 $0x1, v61;
	v3 =	vand.u32 $0x1, v3  }
0x51: {  	vm7 =	vmand vm3, vm12;
	vm6 =	vmand vm3, vm11;
	vm11 =	veq.s32 v4, $0x1  }
0x52: {  	vm12 =	veq.s32 v5, $0x1;
	v4 =	vand.u32 $0x1, v63;
	vm8 =	vmand vm8, vm11  }
0x53: {  	vm11 =	veq.s32 v62, $0x1;
	vm10 =	vmand vm10, vm12;
	v1 =	vshrl.u32 v2, v1  }
0x54: {  	vm12 =	veq.s32 v3, $0x1;
	vm13 =	veq.s32 v4, $0x1;
	v1 =	vand.u32 $0x1, v1  }
0x55: {  	vm9 =	vmand vm9, vm12;
	vm12 =	vmand vm5, vm13;
	vm13 =	veq.s32 v1, $0x1  }
0x56: {  	vm9 =	vmand vm1, vm9;
	vm12 =	vmand vm2, vm12;
	vm5 =	vmand vm5, vm13  }
0x57: {  	vm9 =	vmor vm10, vm9;
	vm13 =	vmand vm0, vm12;
	vm5 =	vmand vm2, vm5  }
0x58: {  	vm4 =	vmand vm4, vm11;
	vm9 =	vmor vm9, vm13;
	vm5 =	vmand vm1, vm5  }
0x59: {  	vm8 =	vmand vm3, vm8;
	vm3 =	vmand vm3, vm4;
	vm5 =	vmor vm9, vm5  }
0x5a: {  	vm15 =	vmand vm2, vm7;
	vm3 =	vmand vm1, vm3;
	vm14 =	vmor vm8, vm5  }
0x5b: {  	vm0 =	vmand vm0, vm15;
	vm2 =	vmand vm2, vm6;
	vm3 =	vmor vm14, vm3  }
0x5c: {  	vm1 =	vmand vm1, vm2;
	vm0 =	vmor vm3, vm0  }
0x5d: {  	s10 =	sadd.s32 $0x1, s10;
	vm0 =	vmor vm0, vm1  }
0x5e: {  	p0 =	sne.s32 s10, s6;
	v1 =	vsel vm0, $0x3F800000, v0  }
.Ltmp1:
0x5f: {  	[tilespmem:s11+$0x12000] =	vst v1;
	(pc) =	sbr.rel @p0 .LBB2_1-.Ltmp1, $4  }
0x60: {  	[hbm4b:s5+s2] =	stream.linear.scatter [tilespmem:s9], [sflag:$0x1], $0x2000, $0x38;
	[tilespmem:$0x14000] =	vst v63  }
0x61: {  	_ =	swait.ge [sflag:s7], $0x2000  }
0x62: {  	[sflag:s7] =	ssyncset.done $0x0  }
0x63: {  	[sflag:s7] =	ssyncadd.s32 $0xFFFFE000  }
0x64: {  	_ =	sfence.sel $0x180000  }
0x65: {  	[bflag:$0x0] =	sbarrier.arrive $0xFFFF  }
0x66: {  	p0 =	sne.s32 s1, $0x0;
	_ =	strace $0x90000047  }
0x67: {  	s0 =	sadd.s32 @!p0 $0x100000, s0;
	[bflag:$0x2] =	sbarrier.arrive $0xFFFF  }
0x68: {  	[sflag:s0] =	ssyncadd.tile.s32 @!p0 $0x1;
	_ =	shalt  }
.Lfunc_end2:
_tile_overlayer_lowered:
.L_overlay_start_2:
0x69: {  	(tag) =	ssettag $0x2  }
0x6a: {  	s0 =	rddreg [dreg:$0x0];
	s2 =	stileid.u32  }
0x6b: {  	s1 =	rddreg [dreg:$0x1];
	p0 =	sne.s32 s2, $0x0  }
0x6c: {  	s3 =	rddreg [dreg:$0x2];
	[bflag:$0x3] =	sbarrier.arrive $0xFFFF;
	s2 =	simm.s32 @!p0 $0x1C01  }
0x6d: {  	[timem:s3], [sflag:s2] =	dma.local @!p0 [hbm:s0], s1  }
0x6e: {  	s0 =	simm.s32 @!p0 $0x1  }
0x6f: {  	_ =	swait.ge @!p0 [sflag:s0], s1  }
0x70: {  	s1 =	ssub.s32 @!p0 $0x0, s1;
	[sflag:s0] =	ssyncset.done @!p0 $0x0  }
0x71: {  	[sflag:s0] =	ssyncadd.s32 @!p0 s1  }
0x72: {  	[bflag:$0x3] =	sbarrier.arrive $0xFFFF  }
0x73: {  	_ =	shalt  }

</sc_bundles>
